<compile_context>
chip_gen: v7x
topology: tpu7x:2x2x1
jax: 0.10.2.dev20260603
libtpu: 0.0.44.dev20260713+nightly
codegen_flags: <defaults>
</compile_context>

<pallas_src>
import functools

import jax
import jax.numpy as jnp
from jax import lax
from jax.experimental import pallas as pl
from jax.experimental.pallas import tpu as pltpu
from jax.experimental.pallas import tpu_sc as plsc

N = 10000
E = 320000
NC = 2
NS = 16
NW = NC * NS
EPW = E // NW
CH = 125
NCH = EPW // CH
ROWS_PER_TILE = N // NS


def _seg_sum_sc(width):
    mesh = plsc.VectorSubcoreMesh(core_axis_name="c", subcore_axis_name="s")

    @functools.partial(
        pl.kernel,
        out_type=jax.ShapeDtypeStruct((NC, N, width), jnp.float32),
        mesh=mesh,
        compiler_params=pltpu.CompilerParams(use_tc_tiling_on_sc=False),
        scratch_types=[
            pltpu.VMEM((NCH, CH), jnp.int32),
            pltpu.VMEM((NCH, CH), jnp.int32),
            pltpu.VMEM((CH, width), jnp.float32),
            pltpu.VMEM_SHARED((N, width), jnp.float32),
            pltpu.SemaphoreType.DMA,
        ],
    )
    def k(table_hbm, src_hbm, dst_hbm, zeros_hbm, out_hbm,
          src_v, dst_v, rows_v, acc_sh, sem):
        c = lax.axis_index("c")
        s = lax.axis_index("s")
        wid = c * NS + s
        stripe = pl.ds(s * ROWS_PER_TILE, ROWS_PER_TILE)
        pltpu.sync_copy(zeros_hbm.at[stripe], acc_sh.at[stripe])
        pltpu.sync_copy(src_hbm.at[wid], src_v)
        pltpu.sync_copy(dst_hbm.at[wid], dst_v)
        plsc.subcore_barrier()

        def body(i, carry):
            pltpu.async_copy(table_hbm.at[src_v.at[i]], rows_v, sem).wait()
            pltpu.sync_copy(rows_v, acc_sh.at[dst_v.at[i]], add=True)
            return carry

        lax.fori_loop(0, NCH, body, 0)
        plsc.subcore_barrier()
        pltpu.sync_copy(acc_sh.at[stripe], out_hbm.at[c].at[stripe])

    return k


def _pair_gather_sc():
    mesh = plsc.VectorSubcoreMesh(core_axis_name="c", subcore_axis_name="s")

    @functools.partial(
        pl.kernel,
        out_type=jax.ShapeDtypeStruct((E, 128), jnp.float32),
        mesh=mesh,
        compiler_params=pltpu.CompilerParams(use_tc_tiling_on_sc=False),
        scratch_types=[
            pltpu.VMEM((NCH, CH), jnp.int32),
            pltpu.VMEM((NCH, CH), jnp.int32),
            pltpu.VMEM((CH, 128), jnp.float32),
            pltpu.SemaphoreType.DMA,
        ],
    )
    def k(a_hbm, b_hbm, src_hbm, dst_hbm, out_hbm, src_v, dst_v, rows_v, sem):
        c = lax.axis_index("c")
        s = lax.axis_index("s")
        wid = c * NS + s
        pltpu.sync_copy(src_hbm.at[wid], src_v)
        pltpu.sync_copy(dst_hbm.at[wid], dst_v)

        def body(i, carry):
            pltpu.async_copy(a_hbm.at[src_v.at[i]], rows_v, sem).wait()
            pltpu.async_copy(b_hbm.at[dst_v.at[i]], rows_v, sem, add=True).wait()
            pltpu.sync_copy(rows_v, out_hbm.at[pl.ds(wid * EPW + i * CH, CH)])
            return carry

        lax.fori_loop(0, NCH, body, 0)

    return k


def _leaky(x):
    return jnp.where(x >= 0, x, 0.01 * x)


def _layer1_tc(p_ref, x_ref, w1_ref, b1_ref, g1_ref, be1_ref, h1_ref, cnt_ref):
    agg = p_ref[0, :, :128] + p_ref[1, :, :128] + x_ref[...]
    cnt = p_ref[0, :, 128:129] + p_ref[1, :, 128:129] + 1.0
    xa = agg / cnt
    t = jnp.dot(xa, w1_ref[...], preferred_element_type=jnp.float32) + b1_ref[...]
    m = jnp.mean(t, axis=0, keepdims=True)
    v = jnp.mean((t - m) * (t - m), axis=0, keepdims=True)
    tn = g1_ref[...] * (t - m) * lax.rsqrt(v + 1e-5) + be1_ref[...]
    h1_ref[...] = _leaky(tn)
    cnt_ref[...] = cnt


def _layer2_tc(p_ref, h1_ref, cnt_ref, w2_ref, b2_ref, g2_ref, be2_ref,
               wp1a_ref, wp1b_ref, h_ref, a_ref, bb_ref):
    agg = (p_ref[0] + p_ref[1] + h1_ref[...]) / cnt_ref[...]
    t = jnp.dot(agg, w2_ref[...], preferred_element_type=jnp.float32) + b2_ref[...]
    m = jnp.mean(t, axis=0, keepdims=True)
    v = jnp.mean((t - m) * (t - m), axis=0, keepdims=True)
    tn = g2_ref[...] * (t - m) * lax.rsqrt(v + 1e-5) + be2_ref[...]
    h = _leaky(tn)
    h_ref[...] = h
    a_ref[...] = jnp.dot(h, wp1a_ref[...], preferred_element_type=jnp.float32)
    bb_ref[...] = jnp.dot(h, wp1b_ref[...], preferred_element_type=jnp.float32)


def _edge_mlp_tc(g_ref, bp1_ref, wp2_ref, bp2_ref, wp3_ref, bp3_ref, out_ref):
    t1 = jnp.maximum(g_ref[...] + bp1_ref[...], 0.0)
    t2 = jnp.dot(t1, wp2_ref[...], preferred_element_type=jnp.float32) + bp2_ref[...]
    t2 = jnp.maximum(t2, 0.0)
    t3 = jnp.dot(t2, wp3_ref[...], preferred_element_type=jnp.float32) + bp3_ref[...]
    out_ref[...] = jax.nn.sigmoid(t3)


_EBLK = 2000


def kernel(x, edge_index, W1, b1, gamma1, beta1, W2, b2, gamma2, beta2,
           Wp1, bp1, Wp2, bp2, Wp3, bp3):
    src = edge_index[0].reshape(NW, NCH, CH)
    dst = edge_index[1].reshape(NW, NCH, CH)
    x_aug = jnp.concatenate([x, jnp.ones((N, 16), jnp.float32)], axis=1)
    zeros144 = jnp.zeros((N, 144), jnp.float32)
    zeros128 = jnp.zeros((N, 128), jnp.float32)

    p1 = _seg_sum_sc(144)(x_aug, src, dst, zeros144)

    h1, cnt = pl.pallas_call(
        _layer1_tc,
        out_shape=(
            jax.ShapeDtypeStruct((N, 128), jnp.float32),
            jax.ShapeDtypeStruct((N, 1), jnp.float32),
        ),
    )(p1, x, W1, b1.reshape(1, 128), gamma1.reshape(1, 128), beta1.reshape(1, 128))

    p2 = _seg_sum_sc(128)(h1, src, dst, zeros128)

    h, A, B = pl.pallas_call(
        _layer2_tc,
        out_shape=(
            jax.ShapeDtypeStruct((N, 256), jnp.float32),
            jax.ShapeDtypeStruct((N, 128), jnp.float32),
            jax.ShapeDtypeStruct((N, 128), jnp.float32),
        ),
    )(p2, h1, cnt, W2, b2.reshape(1, 256), gamma2.reshape(1, 256),
      beta2.reshape(1, 256), Wp1[:256], Wp1[256:])

    G = _pair_gather_sc()(A, B, src, dst)

    pred = pl.pallas_call(
        _edge_mlp_tc,
        grid=(E // _EBLK,),
        in_specs=[
            pl.BlockSpec((_EBLK, 128), lambda i: (i, 0)),
            pl.BlockSpec((1, 128), lambda i: (0, 0)),
            pl.BlockSpec((128, 64), lambda i: (0, 0)),
            pl.BlockSpec((1, 64), lambda i: (0, 0)),
            pl.BlockSpec((64, 1), lambda i: (0, 0)),
            pl.BlockSpec((1, 1), lambda i: (0, 0)),
        ],
        out_specs=pl.BlockSpec((_EBLK, 1), lambda i: (i, 0)),
        out_shape=jax.ShapeDtypeStruct((E, 1), jnp.float32),
    )(G, bp1.reshape(1, 128), Wp2, bp2.reshape(1, 64), Wp3, bp3.reshape(1, 1))

    return (h, pred)

# --- scband reference (transcript-rebuilt; emitter-appended) ---
"""Pipeline reference for scband-gnn-82325933130116 (READ-ONLY COPY).

The authoritative reference and input builder live on the scoring server;
editing this copy changes nothing except your own understanding.
"""

import jax, jax.numpy as jnp
import numpy as np

N = 10000
E = 320000
F_IN = 128


def _glorot(k, shape):
    lim = np.sqrt(6.0 / (shape[0] + shape[1]))
    return jax.random.uniform(k, shape, jnp.float32, -lim, lim)


def setup_inputs(seed: int = 0):
    key = jax.random.key(seed)
    ks = jax.random.split(key, 12)
    inp = {}
    inp['x'] = jax.random.normal(ks[0], (N, F_IN), jnp.float32)
    inp['edge_index'] = jax.random.randint(ks[1], (2, E), 0, N, jnp.int32)
    # GCNConv 1: 128 -> 128
    inp['W1'] = _glorot(ks[2], (F_IN, 128))
    inp['b1'] = jnp.zeros((128,), jnp.float32)
    inp['gamma1'] = jnp.ones((128,), jnp.float32)
    inp['beta1'] = jnp.zeros((128,), jnp.float32)
    # GCNConv 2: 128 -> 256
    inp['W2'] = _glorot(ks[3], (128, 256))
    inp['b2'] = jnp.zeros((256,), jnp.float32)
    inp['gamma2'] = jnp.ones((256,), jnp.float32)
    inp['beta2'] = jnp.zeros((256,), jnp.float32)
    # edge predictor MLP: 512 -> 128 -> 64 -> 1
    inp['Wp1'] = _glorot(ks[4], (512, 128))
    inp['bp1'] = jnp.zeros((128,), jnp.float32)
    inp['Wp2'] = _glorot(ks[5], (128, 64))
    inp['bp2'] = jnp.zeros((64,), jnp.float32)
    inp['Wp3'] = _glorot(ks[6], (64, 1))
    inp['bp3'] = jnp.zeros((1,), jnp.float32)
    return inp


def _gcn_conv_mean(x, edge_index, W, b):
    # GCNConv with aggr='mean': linear transform, add self-loops, mean-aggregate by dst
    n = x.shape[0]
    h = x @ W
    loop = jnp.arange(n, dtype=edge_index.dtype)
    src = jnp.concatenate([edge_index[0], loop])
    dst = jnp.concatenate([edge_index[1], loop])
    agg = jax.ops.segment_sum(h[src], dst, num_segments=n)
    cnt = jax.ops.segment_sum(jnp.ones((src.shape[0],), h.dtype), dst, num_segments=n)
    return agg / jnp.maximum(cnt, 1.0)[:, None] + b


def _batch_norm(x, gamma, beta, eps=1e-5):
    m = jnp.mean(x, axis=0)
    v = jnp.var(x, axis=0)
    return gamma * (x - m) / jnp.sqrt(v + eps) + beta


def reference(x, edge_index, W1, b1, gamma1, beta1, W2, b2, gamma2, beta2, Wp1, bp1, Wp2, bp2, Wp3, bp3):
    h = jax.nn.leaky_relu(_batch_norm(_gcn_conv_mean(x, edge_index, W1, b1), gamma1, beta1))
    # dropout1: identity (eval mode)
    h = jax.nn.leaky_relu(_batch_norm(_gcn_conv_mean(h, edge_index, W2, b2), gamma2, beta2))
    # dropout2: identity (eval mode)
    e = jnp.concatenate([h[edge_index[0]], h[edge_index[1]]], axis=1)
    e = jax.nn.relu(e @ Wp1 + bp1)
    e = jax.nn.relu(e @ Wp2 + bp2)
    pred = jax.nn.sigmoid(e @ Wp3 + bp3)
    return (h, pred)

if __name__ == "__main__":
    import jax
    _d = setup_inputs()
    print(jax.jit(kernel)(*tuple(_d.values())))

</pallas_src>

<mosaic_0001>
#map = affine_map<(d0, d1) -> (0, 0)>
#map1 = affine_map<(d0, d1) -> (0, 0, 0)>
module attributes {stable_mosaic.version = 14 : i64} {
  func.func @k(%arg0: i32, %arg1: i32, %arg2: memref<10000x144xf32, #tpu.memory_space<hbm>>, %arg3: memref<32x80x125xi32, #tpu.memory_space<hbm>>, %arg4: memref<32x80x125xi32, #tpu.memory_space<hbm>>, %arg5: memref<10000x144xf32, #tpu.memory_space<hbm>>, %arg6: memref<2x10000x144xf32, #tpu.memory_space<hbm>>, %arg7: memref<80x125xi32, #tpu.memory_space<vmem>>, %arg8: memref<80x125xi32, #tpu.memory_space<vmem>>, %arg9: memref<125x144xf32, #tpu.memory_space<vmem>>, %arg10: memref<10000x144xf32, #tpu.memory_space<vmem_shared>>, %arg11: memref<!tpu.dma_semaphore, #tpu.memory_space<semaphore_mem>>) attributes {dimension_semantics = [#tpu.dimension_semantics<core_parallel>, #tpu.dimension_semantics<subcore_parallel>], iteration_bounds = array<i64: 2, 16>, scalar_prefetch = 0 : i64, scratch_operands = 5 : i64, tpu.core_type = #tpu.core_type<sc_vector_subcore>, window_params = [{transform_indices = #map}, {transform_indices = #map1}, {transform_indices = #map1}, {transform_indices = #map}, {transform_indices = #map1}]} {
    %mul3A = arith.constant 16 : i32
    %mul3A_0 = arith.muli %arg0, %mul3A : i32
    %add3A = arith.addi %mul3A_0, %arg1 : i32
    %mul3A_1 = arith.constant 625 : i32
    %mul3A_2 = arith.muli %arg1, %mul3A_1 : i32
    "tpu.region"() ({
      %run_scoped3A = tpu.sem_alloc : memref<!tpu.dma_semaphore, #tpu.memory_space<semaphore_mem>>
      %dma_start3A = arith.constant 0 : i32
      %dma_start3A_9 = tpu.memref_slice %arg10[%mul3A_2, %dma_start3A] : memref<10000x144xf32, #tpu.memory_space<vmem_shared>> -> memref<625x144xf32, #tpu.memory_space<vmem_shared>>
      %dma_start3A_10 = arith.constant 0 : i32
      %dma_start3A_11 = tpu.memref_slice %arg5[%mul3A_2, %dma_start3A_10] : memref<10000x144xf32, #tpu.memory_space<hbm>> -> memref<625x144xf32, #tpu.memory_space<hbm>>
      tpu.enqueue_dma source(%dma_start3A_11 : memref<625x144xf32, #tpu.memory_space<hbm>>) target(%dma_start3A_9 : memref<625x144xf32, #tpu.memory_space<vmem_shared>>) target_semaphore(%run_scoped3A : memref<!tpu.dma_semaphore, #tpu.memory_space<semaphore_mem>>)
      %dma_wait3A = arith.constant 0 : i32
      %dma_wait3A_12 = tpu.memref_slice %arg10[%mul3A_2, %dma_wait3A] : memref<10000x144xf32, #tpu.memory_space<vmem_shared>> -> memref<625x144xf32, #tpu.memory_space<vmem_shared>>
      %dma_wait3A_13 = arith.constant 0 : i32
      %dma_wait3A_14 = tpu.memref_slice %arg5[%mul3A_2, %dma_wait3A_13] : memref<10000x144xf32, #tpu.memory_space<hbm>> -> memref<625x144xf32, #tpu.memory_space<hbm>>
      tpu.wait_dma2 semaphore(%run_scoped3A : memref<!tpu.dma_semaphore, #tpu.memory_space<semaphore_mem>>) src(%dma_wait3A_14 : memref<625x144xf32, #tpu.memory_space<hbm>>) dst(%dma_wait3A_12 : memref<625x144xf32, #tpu.memory_space<vmem_shared>>)
      tpu.yield
    }) : () -> ()
    "tpu.region"() ({
      %run_scoped3A = tpu.sem_alloc : memref<!tpu.dma_semaphore, #tpu.memory_space<semaphore_mem>>
      %dma_start3A = arith.constant 0 : i32
      %dma_start3A_9 = arith.constant 0 : i32
      %dma_start3A_10 = tpu.memref_slice %arg3[%add3A, %dma_start3A, %dma_start3A_9] : memref<32x80x125xi32, #tpu.memory_space<hbm>> -> memref<1x80x125xi32, #tpu.memory_space<hbm>>
      %dma_start3A_11 = tpu.memref_squeeze %dma_start3A_10 : memref<1x80x125xi32, #tpu.memory_space<hbm>> -> memref<80x125xi32, #tpu.memory_space<hbm>>
      %dma_start3A_12 = arith.constant 0 : i32
      %dma_start3A_13 = arith.constant 0 : i32
      %dma_start3A_14 = tpu.memref_slice %arg3[%add3A, %dma_start3A_12, %dma_start3A_13] : memref<32x80x125xi32, #tpu.memory_space<hbm>> -> memref<1x80x125xi32, #tpu.memory_space<hbm>>
      %dma_start3A_15 = tpu.memref_squeeze %dma_start3A_14 : memref<1x80x125xi32, #tpu.memory_space<hbm>> -> memref<80x125xi32, #tpu.memory_space<hbm>>
      tpu.enqueue_dma source(%dma_start3A_15 : memref<80x125xi32, #tpu.memory_space<hbm>>) target(%arg7 : memref<80x125xi32, #tpu.memory_space<vmem>>) target_semaphore(%run_scoped3A : memref<!tpu.dma_semaphore, #tpu.memory_space<semaphore_mem>>)
      %dma_wait3A = arith.constant 0 : i32
      %dma_wait3A_16 = arith.constant 0 : i32
      %dma_wait3A_17 = tpu.memref_slice %arg3[%add3A, %dma_wait3A, %dma_wait3A_16] : memref<32x80x125xi32, #tpu.memory_space<hbm>> -> memref<1x80x125xi32, #tpu.memory_space<hbm>>
      %dma_wait3A_18 = tpu.memref_squeeze %dma_wait3A_17 : memref<1x80x125xi32, #tpu.memory_space<hbm>> -> memref<80x125xi32, #tpu.memory_space<hbm>>
      %dma_wait3A_19 = arith.constant 0 : i32
      %dma_wait3A_20 = arith.constant 0 : i32
      %dma_wait3A_21 = tpu.memref_slice %arg3[%add3A, %dma_wait3A_19, %dma_wait3A_20] : memref<32x80x125xi32, #tpu.memory_space<hbm>> -> memref<1x80x125xi32, #tpu.memory_space<hbm>>
      %dma_wait3A_22 = tpu.memref_squeeze %dma_wait3A_21 : memref<1x80x125xi32, #tpu.memory_space<hbm>> -> memref<80x125xi32, #tpu.memory_space<hbm>>
      tpu.wait_dma2 semaphore(%run_scoped3A : memref<!tpu.dma_semaphore, #tpu.memory_space<semaphore_mem>>) src(%dma_wait3A_22 : memref<80x125xi32, #tpu.memory_space<hbm>>) dst(%arg7 : memref<80x125xi32, #tpu.memory_space<vmem>>)
      tpu.yield
    }) : () -> ()
    "tpu.region"() ({
      %run_scoped3A = tpu.sem_alloc : memref<!tpu.dma_semaphore, #tpu.memory_space<semaphore_mem>>
      %dma_start3A = arith.constant 0 : i32
      %dma_start3A_9 = arith.constant 0 : i32
      %dma_start3A_10 = tpu.memref_slice %arg4[%add3A, %dma_start3A, %dma_start3A_9] : memref<32x80x125xi32, #tpu.memory_space<hbm>> -> memref<1x80x125xi32, #tpu.memory_space<hbm>>
      %dma_start3A_11 = tpu.memref_squeeze %dma_start3A_10 : memref<1x80x125xi32, #tpu.memory_space<hbm>> -> memref<80x125xi32, #tpu.memory_space<hbm>>
      %dma_start3A_12 = arith.constant 0 : i32
      %dma_start3A_13 = arith.constant 0 : i32
      %dma_start3A_14 = tpu.memref_slice %arg4[%add3A, %dma_start3A_12, %dma_start3A_13] : memref<32x80x125xi32, #tpu.memory_space<hbm>> -> memref<1x80x125xi32, #tpu.memory_space<hbm>>
      %dma_start3A_15 = tpu.memref_squeeze %dma_start3A_14 : memref<1x80x125xi32, #tpu.memory_space<hbm>> -> memref<80x125xi32, #tpu.memory_space<hbm>>
      tpu.enqueue_dma source(%dma_start3A_15 : memref<80x125xi32, #tpu.memory_space<hbm>>) target(%arg8 : memref<80x125xi32, #tpu.memory_space<vmem>>) target_semaphore(%run_scoped3A : memref<!tpu.dma_semaphore, #tpu.memory_space<semaphore_mem>>)
      %dma_wait3A = arith.constant 0 : i32
      %dma_wait3A_16 = arith.constant 0 : i32
      %dma_wait3A_17 = tpu.memref_slice %arg4[%add3A, %dma_wait3A, %dma_wait3A_16] : memref<32x80x125xi32, #tpu.memory_space<hbm>> -> memref<1x80x125xi32, #tpu.memory_space<hbm>>
      %dma_wait3A_18 = tpu.memref_squeeze %dma_wait3A_17 : memref<1x80x125xi32, #tpu.memory_space<hbm>> -> memref<80x125xi32, #tpu.memory_space<hbm>>
      %dma_wait3A_19 = arith.constant 0 : i32
      %dma_wait3A_20 = arith.constant 0 : i32
      %dma_wait3A_21 = tpu.memref_slice %arg4[%add3A, %dma_wait3A_19, %dma_wait3A_20] : memref<32x80x125xi32, #tpu.memory_space<hbm>> -> memref<1x80x125xi32, #tpu.memory_space<hbm>>
      %dma_wait3A_22 = tpu.memref_squeeze %dma_wait3A_21 : memref<1x80x125xi32, #tpu.memory_space<hbm>> -> memref<80x125xi32, #tpu.memory_space<hbm>>
      tpu.wait_dma2 semaphore(%run_scoped3A : memref<!tpu.dma_semaphore, #tpu.memory_space<semaphore_mem>>) src(%dma_wait3A_22 : memref<80x125xi32, #tpu.memory_space<hbm>>) dst(%arg8 : memref<80x125xi32, #tpu.memory_space<vmem>>)
      tpu.yield
    }) : () -> ()
    %barrier3A = arith.constant 0 : index
    tpu.barrier barrier_id(%barrier3A)
    %scan3A = arith.constant 0 : i32
    %scan3A_3 = arith.constant 0 : i32
    %scan3A_4 = arith.constant 80 : i32
    %scan3A_5 = arith.addi %scan3A_3, %scan3A_4 : i32
    %scan3A_6 = arith.constant 1 : i32
    scf.for %scan3A_9 = %scan3A_3 to %scan3A_5 step %scan3A_6  : i32 {
      %dma_start3A = arith.constant 0 : i32
      %dma_start3A_10 = tpu.memref_slice %arg7[%scan3A_9, %dma_start3A] : memref<80x125xi32, #tpu.memory_space<vmem>> -> memref<1x125xi32, #tpu.memory_space<vmem>>
      %dma_start3A_11 = tpu.memref_squeeze %dma_start3A_10 : memref<1x125xi32, #tpu.memory_space<vmem>> -> memref<125xi32, #tpu.memory_space<vmem>>
      %dma_start3A_12 = arith.constant 0 : i32
      %dma_start3A_13 = arith.constant 0 : i32
      %dma_start3A_14 = tpu.memref_slice %arg2[%dma_start3A_12, %dma_start3A_13] : memref<10000x144xf32, #tpu.memory_space<hbm>> -> memref<10000x144xf32, #tpu.memory_space<hbm>>
      tpu.enqueue_indirect_dma source(%dma_start3A_14 : memref<10000x144xf32, #tpu.memory_space<hbm>>) target(%arg9 : memref<125x144xf32, #tpu.memory_space<vmem>>) offsets(%dma_start3A_11 : memref<125xi32, #tpu.memory_space<vmem>>) semaphore(%arg11 : memref<!tpu.dma_semaphore, #tpu.memory_space<semaphore_mem>>)
      %dma_wait3A = arith.constant 0 : i32
      %dma_wait3A_15 = tpu.memref_slice %arg7[%scan3A_9, %dma_wait3A] : memref<80x125xi32, #tpu.memory_space<vmem>> -> memref<1x125xi32, #tpu.memory_space<vmem>>
      %dma_wait3A_16 = tpu.memref_squeeze %dma_wait3A_15 : memref<1x125xi32, #tpu.memory_space<vmem>> -> memref<125xi32, #tpu.memory_space<vmem>>
      %dma_wait3A_17 = arith.constant 0 : i32
      %dma_wait3A_18 = arith.constant 0 : i32
      %dma_wait3A_19 = tpu.memref_slice %arg2[%dma_wait3A_17, %dma_wait3A_18] : memref<10000x144xf32, #tpu.memory_space<hbm>> -> memref<10000x144xf32, #tpu.memory_space<hbm>>
      tpu.wait_indirect_dma semaphore(%arg11 : memref<!tpu.dma_semaphore, #tpu.memory_space<semaphore_mem>>) src(%dma_wait3A_19 : memref<10000x144xf32, #tpu.memory_space<hbm>>) dst(%arg9 : memref<125x144xf32, #tpu.memory_space<vmem>>)
      "tpu.region"() ({
        %run_scoped3A = tpu.sem_alloc : memref<!tpu.dma_semaphore, #tpu.memory_space<semaphore_mem>>
        %dma_start3A_20 = arith.constant 0 : i32
        %dma_start3A_21 = tpu.memref_slice %arg8[%scan3A_9, %dma_start3A_20] : memref<80x125xi32, #tpu.memory_space<vmem>> -> memref<1x125xi32, #tpu.memory_space<vmem>>
        %dma_start3A_22 = tpu.memref_squeeze %dma_start3A_21 : memref<1x125xi32, #tpu.memory_space<vmem>> -> memref<125xi32, #tpu.memory_space<vmem>>
        %dma_start3A_23 = arith.constant 0 : i32
        %dma_start3A_24 = arith.constant 0 : i32
        %dma_start3A_25 = tpu.memref_slice %arg10[%dma_start3A_23, %dma_start3A_24] : memref<10000x144xf32, #tpu.memory_space<vmem_shared>> -> memref<10000x144xf32, #tpu.memory_space<vmem_shared>>
        tpu.enqueue_indirect_dma source(%arg9 : memref<125x144xf32, #tpu.memory_space<vmem>>) target(%dma_start3A_25 : memref<10000x144xf32, #tpu.memory_space<vmem_shared>>) offsets(%dma_start3A_22 : memref<125xi32, #tpu.memory_space<vmem>>) semaphore(%run_scoped3A : memref<!tpu.dma_semaphore, #tpu.memory_space<semaphore_mem>>) {add = true}
        %dma_wait3A_26 = arith.constant 0 : i32
        %dma_wait3A_27 = tpu.memref_slice %arg8[%scan3A_9, %dma_wait3A_26] : memref<80x125xi32, #tpu.memory_space<vmem>> -> memref<1x125xi32, #tpu.memory_space<vmem>>
        %dma_wait3A_28 = tpu.memref_squeeze %dma_wait3A_27 : memref<1x125xi32, #tpu.memory_space<vmem>> -> memref<125xi32, #tpu.memory_space<vmem>>
        %dma_wait3A_29 = arith.constant 0 : i32
        %dma_wait3A_30 = arith.constant 0 : i32
        %dma_wait3A_31 = tpu.memref_slice %arg10[%dma_wait3A_29, %dma_wait3A_30] : memref<10000x144xf32, #tpu.memory_space<vmem_shared>> -> memref<10000x144xf32, #tpu.memory_space<vmem_shared>>
        tpu.wait_indirect_dma semaphore(%run_scoped3A : memref<!tpu.dma_semaphore, #tpu.memory_space<semaphore_mem>>) src(%arg9 : memref<125x144xf32, #tpu.memory_space<vmem>>) dst(%dma_wait3A_31 : memref<10000x144xf32, #tpu.memory_space<vmem_shared>>)
        tpu.yield
      }) : () -> ()
    }
    %scan3A_7 = arith.constant 80 : i32
    %barrier3A_8 = arith.constant 0 : index
    tpu.barrier barrier_id(%barrier3A_8)
    "tpu.region"() ({
      %run_scoped3A = tpu.sem_alloc : memref<!tpu.dma_semaphore, #tpu.memory_space<semaphore_mem>>
      %dma_start3A = arith.constant 0 : i32
      %dma_start3A_9 = arith.constant 0 : i32
      %dma_start3A_10 = tpu.memref_slice %arg6[%arg0, %dma_start3A, %dma_start3A_9] : memref<2x10000x144xf32, #tpu.memory_space<hbm>> -> memref<1x10000x144xf32, #tpu.memory_space<hbm>>
      %dma_start3A_11 = tpu.memref_squeeze %dma_start3A_10 : memref<1x10000x144xf32, #tpu.memory_space<hbm>> -> memref<10000x144xf32, #tpu.memory_space<hbm>>
      %dma_start3A_12 = arith.constant 0 : i32
      %dma_start3A_13 = tpu.memref_slice %dma_start3A_11[%mul3A_2, %dma_start3A_12] : memref<10000x144xf32, #tpu.memory_space<hbm>> -> memref<625x144xf32, #tpu.memory_space<hbm>>
      %dma_start3A_14 = arith.constant 0 : i32
      %dma_start3A_15 = tpu.memref_slice %arg10[%mul3A_2, %dma_start3A_14] : memref<10000x144xf32, #tpu.memory_space<vmem_shared>> -> memref<625x144xf32, #tpu.memory_space<vmem_shared>>
      tpu.enqueue_dma source(%dma_start3A_15 : memref<625x144xf32, #tpu.memory_space<vmem_shared>>) target(%dma_start3A_13 : memref<625x144xf32, #tpu.memory_space<hbm>>) target_semaphore(%run_scoped3A : memref<!tpu.dma_semaphore, #tpu.memory_space<semaphore_mem>>)
      %dma_wait3A = arith.constant 0 : i32
      %dma_wait3A_16 = arith.constant 0 : i32
      %dma_wait3A_17 = tpu.memref_slice %arg6[%arg0, %dma_wait3A, %dma_wait3A_16] : memref<2x10000x144xf32, #tpu.memory_space<hbm>> -> memref<1x10000x144xf32, #tpu.memory_space<hbm>>
      %dma_wait3A_18 = tpu.memref_squeeze %dma_wait3A_17 : memref<1x10000x144xf32, #tpu.memory_space<hbm>> -> memref<10000x144xf32, #tpu.memory_space<hbm>>
      %dma_wait3A_19 = arith.constant 0 : i32
      %dma_wait3A_20 = tpu.memref_slice %dma_wait3A_18[%mul3A_2, %dma_wait3A_19] : memref<10000x144xf32, #tpu.memory_space<hbm>> -> memref<625x144xf32, #tpu.memory_space<hbm>>
      %dma_wait3A_21 = arith.constant 0 : i32
      %dma_wait3A_22 = tpu.memref_slice %arg10[%mul3A_2, %dma_wait3A_21] : memref<10000x144xf32, #tpu.memory_space<vmem_shared>> -> memref<625x144xf32, #tpu.memory_space<vmem_shared>>
      tpu.wait_dma2 semaphore(%run_scoped3A : memref<!tpu.dma_semaphore, #tpu.memory_space<semaphore_mem>>) src(%dma_wait3A_22 : memref<625x144xf32, #tpu.memory_space<vmem_shared>>) dst(%dma_wait3A_20 : memref<625x144xf32, #tpu.memory_space<hbm>>)
      tpu.yield
    }) : () -> ()
    return
  }
}

#map = affine_map<(d0, d1) -> (0, 0)>
#map1 = affine_map<(d0, d1) -> (0, 0, 0)>
module attributes {stable_mosaic.version = 14 : i64} {
  func.func @k(%arg0: i32, %arg1: i32, %arg2: memref<10000x128xf32, #tpu.memory_space<hbm>>, %arg3: memref<10000x128xf32, #tpu.memory_space<hbm>>, %arg4: memref<32x80x125xi32, #tpu.memory_space<hbm>>, %arg5: memref<32x80x125xi32, #tpu.memory_space<hbm>>, %arg6: memref<320000x128xf32, #tpu.memory_space<hbm>>, %arg7: memref<80x125xi32, #tpu.memory_space<vmem>>, %arg8: memref<80x125xi32, #tpu.memory_space<vmem>>, %arg9: memref<125x128xf32, #tpu.memory_space<vmem>>, %arg10: memref<!tpu.dma_semaphore, #tpu.memory_space<semaphore_mem>>) attributes {dimension_semantics = [#tpu.dimension_semantics<core_parallel>, #tpu.dimension_semantics<subcore_parallel>], iteration_bounds = array<i64: 2, 16>, scalar_prefetch = 0 : i64, scratch_operands = 4 : i64, tpu.core_type = #tpu.core_type<sc_vector_subcore>, window_params = [{transform_indices = #map}, {transform_indices = #map}, {transform_indices = #map1}, {transform_indices = #map1}, {transform_indices = #map}]} {
    %mul3A = arith.constant 16 : i32
    %mul3A_0 = arith.muli %arg0, %mul3A : i32
    %add3A = arith.addi %mul3A_0, %arg1 : i32
    "tpu.region"() ({
      %run_scoped3A = tpu.sem_alloc : memref<!tpu.dma_semaphore, #tpu.memory_space<semaphore_mem>>
      %dma_start3A = arith.constant 0 : i32
      %dma_start3A_6 = arith.constant 0 : i32
      %dma_start3A_7 = tpu.memref_slice %arg4[%add3A, %dma_start3A, %dma_start3A_6] : memref<32x80x125xi32, #tpu.memory_space<hbm>> -> memref<1x80x125xi32, #tpu.memory_space<hbm>>
      %dma_start3A_8 = tpu.memref_squeeze %dma_start3A_7 : memref<1x80x125xi32, #tpu.memory_space<hbm>> -> memref<80x125xi32, #tpu.memory_space<hbm>>
      %dma_start3A_9 = arith.constant 0 : i32
      %dma_start3A_10 = arith.constant 0 : i32
      %dma_start3A_11 = tpu.memref_slice %arg4[%add3A, %dma_start3A_9, %dma_start3A_10] : memref<32x80x125xi32, #tpu.memory_space<hbm>> -> memref<1x80x125xi32, #tpu.memory_space<hbm>>
      %dma_start3A_12 = tpu.memref_squeeze %dma_start3A_11 : memref<1x80x125xi32, #tpu.memory_space<hbm>> -> memref<80x125xi32, #tpu.memory_space<hbm>>
      tpu.enqueue_dma source(%dma_start3A_12 : memref<80x125xi32, #tpu.memory_space<hbm>>) target(%arg7 : memref<80x125xi32, #tpu.memory_space<vmem>>) target_semaphore(%run_scoped3A : memref<!tpu.dma_semaphore, #tpu.memory_space<semaphore_mem>>)
      %dma_wait3A = arith.constant 0 : i32
      %dma_wait3A_13 = arith.constant 0 : i32
      %dma_wait3A_14 = tpu.memref_slice %arg4[%add3A, %dma_wait3A, %dma_wait3A_13] : memref<32x80x125xi32, #tpu.memory_space<hbm>> -> memref<1x80x125xi32, #tpu.memory_space<hbm>>
      %dma_wait3A_15 = tpu.memref_squeeze %dma_wait3A_14 : memref<1x80x125xi32, #tpu.memory_space<hbm>> -> memref<80x125xi32, #tpu.memory_space<hbm>>
      %dma_wait3A_16 = arith.constant 0 : i32
      %dma_wait3A_17 = arith.constant 0 : i32
      %dma_wait3A_18 = tpu.memref_slice %arg4[%add3A, %dma_wait3A_16, %dma_wait3A_17] : memref<32x80x125xi32, #tpu.memory_space<hbm>> -> memref<1x80x125xi32, #tpu.memory_space<hbm>>
      %dma_wait3A_19 = tpu.memref_squeeze %dma_wait3A_18 : memref<1x80x125xi32, #tpu.memory_space<hbm>> -> memref<80x125xi32, #tpu.memory_space<hbm>>
      tpu.wait_dma2 semaphore(%run_scoped3A : memref<!tpu.dma_semaphore, #tpu.memory_space<semaphore_mem>>) src(%dma_wait3A_19 : memref<80x125xi32, #tpu.memory_space<hbm>>) dst(%arg7 : memref<80x125xi32, #tpu.memory_space<vmem>>)
      tpu.yield
    }) : () -> ()
    "tpu.region"() ({
      %run_scoped3A = tpu.sem_alloc : memref<!tpu.dma_semaphore, #tpu.memory_space<semaphore_mem>>
      %dma_start3A = arith.constant 0 : i32
      %dma_start3A_6 = arith.constant 0 : i32
      %dma_start3A_7 = tpu.memref_slice %arg5[%add3A, %dma_start3A, %dma_start3A_6] : memref<32x80x125xi32, #tpu.memory_space<hbm>> -> memref<1x80x125xi32, #tpu.memory_space<hbm>>
      %dma_start3A_8 = tpu.memref_squeeze %dma_start3A_7 : memref<1x80x125xi32, #tpu.memory_space<hbm>> -> memref<80x125xi32, #tpu.memory_space<hbm>>
      %dma_start3A_9 = arith.constant 0 : i32
      %dma_start3A_10 = arith.constant 0 : i32
      %dma_start3A_11 = tpu.memref_slice %arg5[%add3A, %dma_start3A_9, %dma_start3A_10] : memref<32x80x125xi32, #tpu.memory_space<hbm>> -> memref<1x80x125xi32, #tpu.memory_space<hbm>>
      %dma_start3A_12 = tpu.memref_squeeze %dma_start3A_11 : memref<1x80x125xi32, #tpu.memory_space<hbm>> -> memref<80x125xi32, #tpu.memory_space<hbm>>
      tpu.enqueue_dma source(%dma_start3A_12 : memref<80x125xi32, #tpu.memory_space<hbm>>) target(%arg8 : memref<80x125xi32, #tpu.memory_space<vmem>>) target_semaphore(%run_scoped3A : memref<!tpu.dma_semaphore, #tpu.memory_space<semaphore_mem>>)
      %dma_wait3A = arith.constant 0 : i32
      %dma_wait3A_13 = arith.constant 0 : i32
      %dma_wait3A_14 = tpu.memref_slice %arg5[%add3A, %dma_wait3A, %dma_wait3A_13] : memref<32x80x125xi32, #tpu.memory_space<hbm>> -> memref<1x80x125xi32, #tpu.memory_space<hbm>>
      %dma_wait3A_15 = tpu.memref_squeeze %dma_wait3A_14 : memref<1x80x125xi32, #tpu.memory_space<hbm>> -> memref<80x125xi32, #tpu.memory_space<hbm>>
      %dma_wait3A_16 = arith.constant 0 : i32
      %dma_wait3A_17 = arith.constant 0 : i32
      %dma_wait3A_18 = tpu.memref_slice %arg5[%add3A, %dma_wait3A_16, %dma_wait3A_17] : memref<32x80x125xi32, #tpu.memory_space<hbm>> -> memref<1x80x125xi32, #tpu.memory_space<hbm>>
      %dma_wait3A_19 = tpu.memref_squeeze %dma_wait3A_18 : memref<1x80x125xi32, #tpu.memory_space<hbm>> -> memref<80x125xi32, #tpu.memory_space<hbm>>
      tpu.wait_dma2 semaphore(%run_scoped3A : memref<!tpu.dma_semaphore, #tpu.memory_space<semaphore_mem>>) src(%dma_wait3A_19 : memref<80x125xi32, #tpu.memory_space<hbm>>) dst(%arg8 : memref<80x125xi32, #tpu.memory_space<vmem>>)
      tpu.yield
    }) : () -> ()
    %scan3A = arith.constant 0 : i32
    %scan3A_1 = arith.constant 0 : i32
    %scan3A_2 = arith.constant 80 : i32
    %scan3A_3 = arith.addi %scan3A_1, %scan3A_2 : i32
    %scan3A_4 = arith.constant 1 : i32
    scf.for %scan3A_6 = %scan3A_1 to %scan3A_3 step %scan3A_4  : i32 {
      %dma_start3A = arith.constant 0 : i32
      %dma_start3A_7 = tpu.memref_slice %arg7[%scan3A_6, %dma_start3A] : memref<80x125xi32, #tpu.memory_space<vmem>> -> memref<1x125xi32, #tpu.memory_space<vmem>>
      %dma_start3A_8 = tpu.memref_squeeze %dma_start3A_7 : memref<1x125xi32, #tpu.memory_space<vmem>> -> memref<125xi32, #tpu.memory_space<vmem>>
      %dma_start3A_9 = arith.constant 0 : i32
      %dma_start3A_10 = arith.constant 0 : i32
      %dma_start3A_11 = tpu.memref_slice %arg2[%dma_start3A_9, %dma_start3A_10] : memref<10000x128xf32, #tpu.memory_space<hbm>> -> memref<10000x128xf32, #tpu.memory_space<hbm>>
      tpu.enqueue_indirect_dma source(%dma_start3A_11 : memref<10000x128xf32, #tpu.memory_space<hbm>>) target(%arg9 : memref<125x128xf32, #tpu.memory_space<vmem>>) offsets(%dma_start3A_8 : memref<125xi32, #tpu.memory_space<vmem>>) semaphore(%arg10 : memref<!tpu.dma_semaphore, #tpu.memory_space<semaphore_mem>>)
      %dma_wait3A = arith.constant 0 : i32
      %dma_wait3A_12 = tpu.memref_slice %arg7[%scan3A_6, %dma_wait3A] : memref<80x125xi32, #tpu.memory_space<vmem>> -> memref<1x125xi32, #tpu.memory_space<vmem>>
      %dma_wait3A_13 = tpu.memref_squeeze %dma_wait3A_12 : memref<1x125xi32, #tpu.memory_space<vmem>> -> memref<125xi32, #tpu.memory_space<vmem>>
      %dma_wait3A_14 = arith.constant 0 : i32
      %dma_wait3A_15 = arith.constant 0 : i32
      %dma_wait3A_16 = tpu.memref_slice %arg2[%dma_wait3A_14, %dma_wait3A_15] : memref<10000x128xf32, #tpu.memory_space<hbm>> -> memref<10000x128xf32, #tpu.memory_space<hbm>>
      tpu.wait_indirect_dma semaphore(%arg10 : memref<!tpu.dma_semaphore, #tpu.memory_space<semaphore_mem>>) src(%dma_wait3A_16 : memref<10000x128xf32, #tpu.memory_space<hbm>>) dst(%arg9 : memref<125x128xf32, #tpu.memory_space<vmem>>)
      %dma_start3A_17 = arith.constant 0 : i32
      %dma_start3A_18 = tpu.memref_slice %arg8[%scan3A_6, %dma_start3A_17] : memref<80x125xi32, #tpu.memory_space<vmem>> -> memref<1x125xi32, #tpu.memory_space<vmem>>
      %dma_start3A_19 = tpu.memref_squeeze %dma_start3A_18 : memref<1x125xi32, #tpu.memory_space<vmem>> -> memref<125xi32, #tpu.memory_space<vmem>>
      %dma_start3A_20 = arith.constant 0 : i32
      %dma_start3A_21 = arith.constant 0 : i32
      %dma_start3A_22 = tpu.memref_slice %arg3[%dma_start3A_20, %dma_start3A_21] : memref<10000x128xf32, #tpu.memory_space<hbm>> -> memref<10000x128xf32, #tpu.memory_space<hbm>>
      tpu.enqueue_indirect_dma source(%dma_start3A_22 : memref<10000x128xf32, #tpu.memory_space<hbm>>) target(%arg9 : memref<125x128xf32, #tpu.memory_space<vmem>>) offsets(%dma_start3A_19 : memref<125xi32, #tpu.memory_space<vmem>>) semaphore(%arg10 : memref<!tpu.dma_semaphore, #tpu.memory_space<semaphore_mem>>) {add = true}
      %dma_wait3A_23 = arith.constant 0 : i32
      %dma_wait3A_24 = tpu.memref_slice %arg8[%scan3A_6, %dma_wait3A_23] : memref<80x125xi32, #tpu.memory_space<vmem>> -> memref<1x125xi32, #tpu.memory_space<vmem>>
      %dma_wait3A_25 = tpu.memref_squeeze %dma_wait3A_24 : memref<1x125xi32, #tpu.memory_space<vmem>> -> memref<125xi32, #tpu.memory_space<vmem>>
      %dma_wait3A_26 = arith.constant 0 : i32
      %dma_wait3A_27 = arith.constant 0 : i32
      %dma_wait3A_28 = tpu.memref_slice %arg3[%dma_wait3A_26, %dma_wait3A_27] : memref<10000x128xf32, #tpu.memory_space<hbm>> -> memref<10000x128xf32, #tpu.memory_space<hbm>>
      tpu.wait_indirect_dma semaphore(%arg10 : memref<!tpu.dma_semaphore, #tpu.memory_space<semaphore_mem>>) src(%dma_wait3A_28 : memref<10000x128xf32, #tpu.memory_space<hbm>>) dst(%arg9 : memref<125x128xf32, #tpu.memory_space<vmem>>)
      %mul3A_29 = arith.constant 10000 : i32
      %mul3A_30 = arith.muli %add3A, %mul3A_29 : i32
      %mul3A_31 = arith.constant 125 : i32
      %mul3A_32 = arith.muli %scan3A_6, %mul3A_31 : i32
      %add3A_33 = arith.addi %mul3A_30, %mul3A_32 : i32
      "tpu.region"() ({
        %run_scoped3A = tpu.sem_alloc : memref<!tpu.dma_semaphore, #tpu.memory_space<semaphore_mem>>
        %dma_start3A_34 = arith.constant 0 : i32
        %dma_start3A_35 = tpu.memref_slice %arg6[%add3A_33, %dma_start3A_34] : memref<320000x128xf32, #tpu.memory_space<hbm>> -> memref<125x128xf32, #tpu.memory_space<hbm>>
        %dma_start3A_36 = arith.constant 0 : i32
        %dma_start3A_37 = tpu.memref_slice %arg6[%add3A_33, %dma_start3A_36] : memref<320000x128xf32, #tpu.memory_space<hbm>> -> memref<125x128xf32, #tpu.memory_space<hbm>>
        tpu.enqueue_dma source(%arg9 : memref<125x128xf32, #tpu.memory_space<vmem>>) target(%dma_start3A_37 : memref<125x128xf32, #tpu.memory_space<hbm>>) target_semaphore(%run_scoped3A : memref<!tpu.dma_semaphore, #tpu.memory_space<semaphore_mem>>)
        %dma_wait3A_38 = arith.constant 0 : i32
        %dma_wait3A_39 = tpu.memref_slice %arg6[%add3A_33, %dma_wait3A_38] : memref<320000x128xf32, #tpu.memory_space<hbm>> -> memref<125x128xf32, #tpu.memory_space<hbm>>
        %dma_wait3A_40 = arith.constant 0 : i32
        %dma_wait3A_41 = tpu.memref_slice %arg6[%add3A_33, %dma_wait3A_40] : memref<320000x128xf32, #tpu.memory_space<hbm>> -> memref<125x128xf32, #tpu.memory_space<hbm>>
        tpu.wait_dma2 semaphore(%run_scoped3A : memref<!tpu.dma_semaphore, #tpu.memory_space<semaphore_mem>>) src(%arg9 : memref<125x128xf32, #tpu.memory_space<vmem>>) dst(%dma_wait3A_41 : memref<125x128xf32, #tpu.memory_space<hbm>>)
        tpu.yield
      }) : () -> ()
    }
    %scan3A_5 = arith.constant 80 : i32
    return
  }
}

#map = affine_map<(d0, d1) -> (0, 0)>
#map1 = affine_map<(d0, d1) -> (0, 0, 0)>
module attributes {stable_mosaic.version = 14 : i64} {
  func.func @k(%arg0: i32, %arg1: i32, %arg2: memref<10000x128xf32, #tpu.memory_space<hbm>>, %arg3: memref<32x80x125xi32, #tpu.memory_space<hbm>>, %arg4: memref<32x80x125xi32, #tpu.memory_space<hbm>>, %arg5: memref<10000x128xf32, #tpu.memory_space<hbm>>, %arg6: memref<2x10000x128xf32, #tpu.memory_space<hbm>>, %arg7: memref<80x125xi32, #tpu.memory_space<vmem>>, %arg8: memref<80x125xi32, #tpu.memory_space<vmem>>, %arg9: memref<125x128xf32, #tpu.memory_space<vmem>>, %arg10: memref<10000x128xf32, #tpu.memory_space<vmem_shared>>, %arg11: memref<!tpu.dma_semaphore, #tpu.memory_space<semaphore_mem>>) attributes {dimension_semantics = [#tpu.dimension_semantics<core_parallel>, #tpu.dimension_semantics<subcore_parallel>], iteration_bounds = array<i64: 2, 16>, scalar_prefetch = 0 : i64, scratch_operands = 5 : i64, tpu.core_type = #tpu.core_type<sc_vector_subcore>, window_params = [{transform_indices = #map}, {transform_indices = #map1}, {transform_indices = #map1}, {transform_indices = #map}, {transform_indices = #map1}]} {
    %mul3A = arith.constant 16 : i32
    %mul3A_0 = arith.muli %arg0, %mul3A : i32
    %add3A = arith.addi %mul3A_0, %arg1 : i32
    %mul3A_1 = arith.constant 625 : i32
    %mul3A_2 = arith.muli %arg1, %mul3A_1 : i32
    "tpu.region"() ({
      %run_scoped3A = tpu.sem_alloc : memref<!tpu.dma_semaphore, #tpu.memory_space<semaphore_mem>>
      %dma_start3A = arith.constant 0 : i32
      %dma_start3A_9 = tpu.memref_slice %arg10[%mul3A_2, %dma_start3A] : memref<10000x128xf32, #tpu.memory_space<vmem_shared>> -> memref<625x128xf32, #tpu.memory_space<vmem_shared>>
      %dma_start3A_10 = arith.constant 0 : i32
      %dma_start3A_11 = tpu.memref_slice %arg5[%mul3A_2, %dma_start3A_10] : memref<10000x128xf32, #tpu.memory_space<hbm>> -> memref<625x128xf32, #tpu.memory_space<hbm>>
      tpu.enqueue_dma source(%dma_start3A_11 : memref<625x128xf32, #tpu.memory_space<hbm>>) target(%dma_start3A_9 : memref<625x128xf32, #tpu.memory_space<vmem_shared>>) target_semaphore(%run_scoped3A : memref<!tpu.dma_semaphore, #tpu.memory_space<semaphore_mem>>)
      %dma_wait3A = arith.constant 0 : i32
      %dma_wait3A_12 = tpu.memref_slice %arg10[%mul3A_2, %dma_wait3A] : memref<10000x128xf32, #tpu.memory_space<vmem_shared>> -> memref<625x128xf32, #tpu.memory_space<vmem_shared>>
      %dma_wait3A_13 = arith.constant 0 : i32
      %dma_wait3A_14 = tpu.memref_slice %arg5[%mul3A_2, %dma_wait3A_13] : memref<10000x128xf32, #tpu.memory_space<hbm>> -> memref<625x128xf32, #tpu.memory_space<hbm>>
      tpu.wait_dma2 semaphore(%run_scoped3A : memref<!tpu.dma_semaphore, #tpu.memory_space<semaphore_mem>>) src(%dma_wait3A_14 : memref<625x128xf32, #tpu.memory_space<hbm>>) dst(%dma_wait3A_12 : memref<625x128xf32, #tpu.memory_space<vmem_shared>>)
      tpu.yield
    }) : () -> ()
    "tpu.region"() ({
      %run_scoped3A = tpu.sem_alloc : memref<!tpu.dma_semaphore, #tpu.memory_space<semaphore_mem>>
      %dma_start3A = arith.constant 0 : i32
      %dma_start3A_9 = arith.constant 0 : i32
      %dma_start3A_10 = tpu.memref_slice %arg3[%add3A, %dma_start3A, %dma_start3A_9] : memref<32x80x125xi32, #tpu.memory_space<hbm>> -> memref<1x80x125xi32, #tpu.memory_space<hbm>>
      %dma_start3A_11 = tpu.memref_squeeze %dma_start3A_10 : memref<1x80x125xi32, #tpu.memory_space<hbm>> -> memref<80x125xi32, #tpu.memory_space<hbm>>
      %dma_start3A_12 = arith.constant 0 : i32
      %dma_start3A_13 = arith.constant 0 : i32
      %dma_start3A_14 = tpu.memref_slice %arg3[%add3A, %dma_start3A_12, %dma_start3A_13] : memref<32x80x125xi32, #tpu.memory_space<hbm>> -> memref<1x80x125xi32, #tpu.memory_space<hbm>>
      %dma_start3A_15 = tpu.memref_squeeze %dma_start3A_14 : memref<1x80x125xi32, #tpu.memory_space<hbm>> -> memref<80x125xi32, #tpu.memory_space<hbm>>
      tpu.enqueue_dma source(%dma_start3A_15 : memref<80x125xi32, #tpu.memory_space<hbm>>) target(%arg7 : memref<80x125xi32, #tpu.memory_space<vmem>>) target_semaphore(%run_scoped3A : memref<!tpu.dma_semaphore, #tpu.memory_space<semaphore_mem>>)
      %dma_wait3A = arith.constant 0 : i32
      %dma_wait3A_16 = arith.constant 0 : i32
      %dma_wait3A_17 = tpu.memref_slice %arg3[%add3A, %dma_wait3A, %dma_wait3A_16] : memref<32x80x125xi32, #tpu.memory_space<hbm>> -> memref<1x80x125xi32, #tpu.memory_space<hbm>>
      %dma_wait3A_18 = tpu.memref_squeeze %dma_wait3A_17 : memref<1x80x125xi32, #tpu.memory_space<hbm>> -> memref<80x125xi32, #tpu.memory_space<hbm>>
      %dma_wait3A_19 = arith.constant 0 : i32
      %dma_wait3A_20 = arith.constant 0 : i32
      %dma_wait3A_21 = tpu.memref_slice %arg3[%add3A, %dma_wait3A_19, %dma_wait3A_20] : memref<32x80x125xi32, #tpu.memory_space<hbm>> -> memref<1x80x125xi32, #tpu.memory_space<hbm>>
      %dma_wait3A_22 = tpu.memref_squeeze %dma_wait3A_21 : memref<1x80x125xi32, #tpu.memory_space<hbm>> -> memref<80x125xi32, #tpu.memory_space<hbm>>
      tpu.wait_dma2 semaphore(%run_scoped3A : memref<!tpu.dma_semaphore, #tpu.memory_space<semaphore_mem>>) src(%dma_wait3A_22 : memref<80x125xi32, #tpu.memory_space<hbm>>) dst(%arg7 : memref<80x125xi32, #tpu.memory_space<vmem>>)
      tpu.yield
    }) : () -> ()
    "tpu.region"() ({
      %run_scoped3A = tpu.sem_alloc : memref<!tpu.dma_semaphore, #tpu.memory_space<semaphore_mem>>
      %dma_start3A = arith.constant 0 : i32
      %dma_start3A_9 = arith.constant 0 : i32
      %dma_start3A_10 = tpu.memref_slice %arg4[%add3A, %dma_start3A, %dma_start3A_9] : memref<32x80x125xi32, #tpu.memory_space<hbm>> -> memref<1x80x125xi32, #tpu.memory_space<hbm>>
      %dma_start3A_11 = tpu.memref_squeeze %dma_start3A_10 : memref<1x80x125xi32, #tpu.memory_space<hbm>> -> memref<80x125xi32, #tpu.memory_space<hbm>>
      %dma_start3A_12 = arith.constant 0 : i32
      %dma_start3A_13 = arith.constant 0 : i32
      %dma_start3A_14 = tpu.memref_slice %arg4[%add3A, %dma_start3A_12, %dma_start3A_13] : memref<32x80x125xi32, #tpu.memory_space<hbm>> -> memref<1x80x125xi32, #tpu.memory_space<hbm>>
      %dma_start3A_15 = tpu.memref_squeeze %dma_start3A_14 : memref<1x80x125xi32, #tpu.memory_space<hbm>> -> memref<80x125xi32, #tpu.memory_space<hbm>>
      tpu.enqueue_dma source(%dma_start3A_15 : memref<80x125xi32, #tpu.memory_space<hbm>>) target(%arg8 : memref<80x125xi32, #tpu.memory_space<vmem>>) target_semaphore(%run_scoped3A : memref<!tpu.dma_semaphore, #tpu.memory_space<semaphore_mem>>)
      %dma_wait3A = arith.constant 0 : i32
      %dma_wait3A_16 = arith.constant 0 : i32
      %dma_wait3A_17 = tpu.memref_slice %arg4[%add3A, %dma_wait3A, %dma_wait3A_16] : memref<32x80x125xi32, #tpu.memory_space<hbm>> -> memref<1x80x125xi32, #tpu.memory_space<hbm>>
      %dma_wait3A_18 = tpu.memref_squeeze %dma_wait3A_17 : memref<1x80x125xi32, #tpu.memory_space<hbm>> -> memref<80x125xi32, #tpu.memory_space<hbm>>
      %dma_wait3A_19 = arith.constant 0 : i32
      %dma_wait3A_20 = arith.constant 0 : i32
      %dma_wait3A_21 = tpu.memref_slice %arg4[%add3A, %dma_wait3A_19, %dma_wait3A_20] : memref<32x80x125xi32, #tpu.memory_space<hbm>> -> memref<1x80x125xi32, #tpu.memory_space<hbm>>
      %dma_wait3A_22 = tpu.memref_squeeze %dma_wait3A_21 : memref<1x80x125xi32, #tpu.memory_space<hbm>> -> memref<80x125xi32, #tpu.memory_space<hbm>>
      tpu.wait_dma2 semaphore(%run_scoped3A : memref<!tpu.dma_semaphore, #tpu.memory_space<semaphore_mem>>) src(%dma_wait3A_22 : memref<80x125xi32, #tpu.memory_space<hbm>>) dst(%arg8 : memref<80x125xi32, #tpu.memory_space<vmem>>)
      tpu.yield
    }) : () -> ()
    %barrier3A = arith.constant 0 : index
    tpu.barrier barrier_id(%barrier3A)
    %scan3A = arith.constant 0 : i32
    %scan3A_3 = arith.constant 0 : i32
    %scan3A_4 = arith.constant 80 : i32
    %scan3A_5 = arith.addi %scan3A_3, %scan3A_4 : i32
    %scan3A_6 = arith.constant 1 : i32
    scf.for %scan3A_9 = %scan3A_3 to %scan3A_5 step %scan3A_6  : i32 {
      %dma_start3A = arith.constant 0 : i32
      %dma_start3A_10 = tpu.memref_slice %arg7[%scan3A_9, %dma_start3A] : memref<80x125xi32, #tpu.memory_space<vmem>> -> memref<1x125xi32, #tpu.memory_space<vmem>>
      %dma_start3A_11 = tpu.memref_squeeze %dma_start3A_10 : memref<1x125xi32, #tpu.memory_space<vmem>> -> memref<125xi32, #tpu.memory_space<vmem>>
      %dma_start3A_12 = arith.constant 0 : i32
      %dma_start3A_13 = arith.constant 0 : i32
      %dma_start3A_14 = tpu.memref_slice %arg2[%dma_start3A_12, %dma_start3A_13] : memref<10000x128xf32, #tpu.memory_space<hbm>> -> memref<10000x128xf32, #tpu.memory_space<hbm>>
      tpu.enqueue_indirect_dma source(%dma_start3A_14 : memref<10000x128xf32, #tpu.memory_space<hbm>>) target(%arg9 : memref<125x128xf32, #tpu.memory_space<vmem>>) offsets(%dma_start3A_11 : memref<125xi32, #tpu.memory_space<vmem>>) semaphore(%arg11 : memref<!tpu.dma_semaphore, #tpu.memory_space<semaphore_mem>>)
      %dma_wait3A = arith.constant 0 : i32
      %dma_wait3A_15 = tpu.memref_slice %arg7[%scan3A_9, %dma_wait3A] : memref<80x125xi32, #tpu.memory_space<vmem>> -> memref<1x125xi32, #tpu.memory_space<vmem>>
      %dma_wait3A_16 = tpu.memref_squeeze %dma_wait3A_15 : memref<1x125xi32, #tpu.memory_space<vmem>> -> memref<125xi32, #tpu.memory_space<vmem>>
      %dma_wait3A_17 = arith.constant 0 : i32
      %dma_wait3A_18 = arith.constant 0 : i32
      %dma_wait3A_19 = tpu.memref_slice %arg2[%dma_wait3A_17, %dma_wait3A_18] : memref<10000x128xf32, #tpu.memory_space<hbm>> -> memref<10000x128xf32, #tpu.memory_space<hbm>>
      tpu.wait_indirect_dma semaphore(%arg11 : memref<!tpu.dma_semaphore, #tpu.memory_space<semaphore_mem>>) src(%dma_wait3A_19 : memref<10000x128xf32, #tpu.memory_space<hbm>>) dst(%arg9 : memref<125x128xf32, #tpu.memory_space<vmem>>)
      "tpu.region"() ({
        %run_scoped3A = tpu.sem_alloc : memref<!tpu.dma_semaphore, #tpu.memory_space<semaphore_mem>>
        %dma_start3A_20 = arith.constant 0 : i32
        %dma_start3A_21 = tpu.memref_slice %arg8[%scan3A_9, %dma_start3A_20] : memref<80x125xi32, #tpu.memory_space<vmem>> -> memref<1x125xi32, #tpu.memory_space<vmem>>
        %dma_start3A_22 = tpu.memref_squeeze %dma_start3A_21 : memref<1x125xi32, #tpu.memory_space<vmem>> -> memref<125xi32, #tpu.memory_space<vmem>>
        %dma_start3A_23 = arith.constant 0 : i32
        %dma_start3A_24 = arith.constant 0 : i32
        %dma_start3A_25 = tpu.memref_slice %arg10[%dma_start3A_23, %dma_start3A_24] : memref<10000x128xf32, #tpu.memory_space<vmem_shared>> -> memref<10000x128xf32, #tpu.memory_space<vmem_shared>>
        tpu.enqueue_indirect_dma source(%arg9 : memref<125x128xf32, #tpu.memory_space<vmem>>) target(%dma_start3A_25 : memref<10000x128xf32, #tpu.memory_space<vmem_shared>>) offsets(%dma_start3A_22 : memref<125xi32, #tpu.memory_space<vmem>>) semaphore(%run_scoped3A : memref<!tpu.dma_semaphore, #tpu.memory_space<semaphore_mem>>) {add = true}
        %dma_wait3A_26 = arith.constant 0 : i32
        %dma_wait3A_27 = tpu.memref_slice %arg8[%scan3A_9, %dma_wait3A_26] : memref<80x125xi32, #tpu.memory_space<vmem>> -> memref<1x125xi32, #tpu.memory_space<vmem>>
        %dma_wait3A_28 = tpu.memref_squeeze %dma_wait3A_27 : memref<1x125xi32, #tpu.memory_space<vmem>> -> memref<125xi32, #tpu.memory_space<vmem>>
        %dma_wait3A_29 = arith.constant 0 : i32
        %dma_wait3A_30 = arith.constant 0 : i32
        %dma_wait3A_31 = tpu.memref_slice %arg10[%dma_wait3A_29, %dma_wait3A_30] : memref<10000x128xf32, #tpu.memory_space<vmem_shared>> -> memref<10000x128xf32, #tpu.memory_space<vmem_shared>>
        tpu.wait_indirect_dma semaphore(%run_scoped3A : memref<!tpu.dma_semaphore, #tpu.memory_space<semaphore_mem>>) src(%arg9 : memref<125x128xf32, #tpu.memory_space<vmem>>) dst(%dma_wait3A_31 : memref<10000x128xf32, #tpu.memory_space<vmem_shared>>)
        tpu.yield
      }) : () -> ()
    }
    %scan3A_7 = arith.constant 80 : i32
    %barrier3A_8 = arith.constant 0 : index
    tpu.barrier barrier_id(%barrier3A_8)
    "tpu.region"() ({
      %run_scoped3A = tpu.sem_alloc : memref<!tpu.dma_semaphore, #tpu.memory_space<semaphore_mem>>
      %dma_start3A = arith.constant 0 : i32
      %dma_start3A_9 = arith.constant 0 : i32
      %dma_start3A_10 = tpu.memref_slice %arg6[%arg0, %dma_start3A, %dma_start3A_9] : memref<2x10000x128xf32, #tpu.memory_space<hbm>> -> memref<1x10000x128xf32, #tpu.memory_space<hbm>>
      %dma_start3A_11 = tpu.memref_squeeze %dma_start3A_10 : memref<1x10000x128xf32, #tpu.memory_space<hbm>> -> memref<10000x128xf32, #tpu.memory_space<hbm>>
      %dma_start3A_12 = arith.constant 0 : i32
      %dma_start3A_13 = tpu.memref_slice %dma_start3A_11[%mul3A_2, %dma_start3A_12] : memref<10000x128xf32, #tpu.memory_space<hbm>> -> memref<625x128xf32, #tpu.memory_space<hbm>>
      %dma_start3A_14 = arith.constant 0 : i32
      %dma_start3A_15 = tpu.memref_slice %arg10[%mul3A_2, %dma_start3A_14] : memref<10000x128xf32, #tpu.memory_space<vmem_shared>> -> memref<625x128xf32, #tpu.memory_space<vmem_shared>>
      tpu.enqueue_dma source(%dma_start3A_15 : memref<625x128xf32, #tpu.memory_space<vmem_shared>>) target(%dma_start3A_13 : memref<625x128xf32, #tpu.memory_space<hbm>>) target_semaphore(%run_scoped3A : memref<!tpu.dma_semaphore, #tpu.memory_space<semaphore_mem>>)
      %dma_wait3A = arith.constant 0 : i32
      %dma_wait3A_16 = arith.constant 0 : i32
      %dma_wait3A_17 = tpu.memref_slice %arg6[%arg0, %dma_wait3A, %dma_wait3A_16] : memref<2x10000x128xf32, #tpu.memory_space<hbm>> -> memref<1x10000x128xf32, #tpu.memory_space<hbm>>
      %dma_wait3A_18 = tpu.memref_squeeze %dma_wait3A_17 : memref<1x10000x128xf32, #tpu.memory_space<hbm>> -> memref<10000x128xf32, #tpu.memory_space<hbm>>
      %dma_wait3A_19 = arith.constant 0 : i32
      %dma_wait3A_20 = tpu.memref_slice %dma_wait3A_18[%mul3A_2, %dma_wait3A_19] : memref<10000x128xf32, #tpu.memory_space<hbm>> -> memref<625x128xf32, #tpu.memory_space<hbm>>
      %dma_wait3A_21 = arith.constant 0 : i32
      %dma_wait3A_22 = tpu.memref_slice %arg10[%mul3A_2, %dma_wait3A_21] : memref<10000x128xf32, #tpu.memory_space<vmem_shared>> -> memref<625x128xf32, #tpu.memory_space<vmem_shared>>
      tpu.wait_dma2 semaphore(%run_scoped3A : memref<!tpu.dma_semaphore, #tpu.memory_space<semaphore_mem>>) src(%dma_wait3A_22 : memref<625x128xf32, #tpu.memory_space<vmem_shared>>) dst(%dma_wait3A_20 : memref<625x128xf32, #tpu.memory_space<hbm>>)
      tpu.yield
    }) : () -> ()
    return
  }
}

module attributes {stable_mosaic.version = 14 : i64} {
  func.func @_layer1_tc(%arg0: memref<2x10000x144xf32, #tpu.memory_space<vmem>>, %arg1: memref<10000x128xf32, #tpu.memory_space<vmem>>, %arg2: memref<128x128xf32, #tpu.memory_space<vmem>>, %arg3: memref<1x128xf32, #tpu.memory_space<vmem>>, %arg4: memref<1x128xf32, #tpu.memory_space<vmem>>, %arg5: memref<1x128xf32, #tpu.memory_space<vmem>>, %arg6: memref<10000x128xf32, #tpu.memory_space<vmem>>, %arg7: memref<10000x1xf32, #tpu.memory_space<vmem>>) attributes {dimension_semantics = [], scalar_prefetch = 0 : i64, scratch_operands = 0 : i64, tpu.core_type = #tpu.core_type<tc>} {
    %get3A = arith.constant 0 : index
    %get3A_0 = arith.constant 0 : index
    %get3A_1 = arith.constant 0 : index
    %get3A_2 = vector.load %arg0[%get3A, %get3A_0, %get3A_1] : memref<2x10000x144xf32, #tpu.memory_space<vmem>>, vector<1x10000x128xf32>
    %get3A_3 = vector.shape_cast %get3A_2 : vector<1x10000x128xf32> to vector<10000x128xf32>
    %get3A_4 = arith.constant 1 : index
    %get3A_5 = arith.constant 0 : index
    %get3A_6 = arith.constant 0 : index
    %get3A_7 = vector.load %arg0[%get3A_4, %get3A_5, %get3A_6] : memref<2x10000x144xf32, #tpu.memory_space<vmem>>, vector<1x10000x128xf32>
    %get3A_8 = vector.shape_cast %get3A_7 : vector<1x10000x128xf32> to vector<10000x128xf32>
    %add3A = arith.addf %get3A_3, %get3A_8 : vector<10000x128xf32>
    %get3A_9 = arith.constant 0 : index
    %get3A_10 = arith.constant 0 : index
    %get3A_11 = vector.load %arg1[%get3A_9, %get3A_10] : memref<10000x128xf32, #tpu.memory_space<vmem>>, vector<10000x128xf32>
    %add3A_12 = arith.addf %add3A, %get3A_11 : vector<10000x128xf32>
    %get3A_13 = arith.constant 0 : index
    %get3A_14 = arith.constant 0 : index
    %get3A_15 = arith.constant 128 : index
    %get3A_16 = vector.load %arg0[%get3A_13, %get3A_14, %get3A_15] : memref<2x10000x144xf32, #tpu.memory_space<vmem>>, vector<1x10000x1xf32>
    %get3A_17 = vector.shape_cast %get3A_16 : vector<1x10000x1xf32> to vector<10000x1xf32>
    %get3A_18 = arith.constant 1 : index
    %get3A_19 = arith.constant 0 : index
    %get3A_20 = arith.constant 128 : index
    %get3A_21 = vector.load %arg0[%get3A_18, %get3A_19, %get3A_20] : memref<2x10000x144xf32, #tpu.memory_space<vmem>>, vector<1x10000x1xf32>
    %get3A_22 = vector.shape_cast %get3A_21 : vector<1x10000x1xf32> to vector<10000x1xf32>
    %add3A_23 = arith.addf %get3A_17, %get3A_22 : vector<10000x1xf32>
    %add3A_24 = arith.constant 1.000000e+00 : f32
    %add3A_25 = vector.broadcast %add3A_24 : f32 to vector<10000x1xf32>
    %add3A_26 = arith.addf %add3A_23, %add3A_25 : vector<10000x1xf32>
    %div3A = vector.broadcast %add3A_26 : vector<10000x1xf32> to vector<10000x128xf32>
    %div3A_27 = arith.divf %add3A_12, %div3A : vector<10000x128xf32>
    %get3A_28 = arith.constant 0 : index
    %get3A_29 = arith.constant 0 : index
    %get3A_30 = vector.load %arg2[%get3A_28, %get3A_29] : memref<128x128xf32, #tpu.memory_space<vmem>>, vector<128x128xf32>
    %dot_general3A = arith.constant dense<0.000000e+00> : vector<10000x128xf32>
    %dot_general3A_31 = tpu.matmul %div3A_27, %get3A_30, %dot_general3A {dimension_numbers = #tpu.dot_dimension_numbers<[1], [0], [0], [1], [0, 0, 1, 1], [], []>, transpose_lhs_hint = false} : vector<10000x128xf32>, vector<128x128xf32>, vector<10000x128xf32> -> vector<10000x128xf32>
    %get3A_32 = arith.constant 0 : index
    %get3A_33 = arith.constant 0 : index
    %get3A_34 = vector.load %arg3[%get3A_32, %get3A_33] : memref<1x128xf32, #tpu.memory_space<vmem>>, vector<1x128xf32>
    %add3A_35 = vector.broadcast %get3A_34 : vector<1x128xf32> to vector<10000x128xf32>
    %add3A_36 = arith.addf %dot_general3A_31, %add3A_35 : vector<10000x128xf32>
    %reduce_sum3A = arith.constant dense<0.000000e+00> : vector<128xf32>
    %reduce_sum3A_37 = vector.multi_reduction <add>, %add3A_36, %reduce_sum3A [0] : vector<10000x128xf32> to vector<128xf32>
    %broadcast_in_dim3A = vector.shape_cast %reduce_sum3A_37 : vector<128xf32> to vector<1x128xf32>
    %div3A_38 = arith.constant 1.000000e+04 : f32
    %div3A_39 = vector.broadcast %div3A_38 : f32 to vector<1x128xf32>
    %div3A_40 = arith.divf %broadcast_in_dim3A, %div3A_39 : vector<1x128xf32>
    %sub3A = vector.broadcast %div3A_40 : vector<1x128xf32> to vector<10000x128xf32>
    %sub3A_41 = arith.subf %add3A_36, %sub3A : vector<10000x128xf32>
    %sub3A_42 = vector.broadcast %div3A_40 : vector<1x128xf32> to vector<10000x128xf32>
    %sub3A_43 = arith.subf %add3A_36, %sub3A_42 : vector<10000x128xf32>
    %mul3A = arith.mulf %sub3A_41, %sub3A_43 : vector<10000x128xf32>
    %reduce_sum3A_44 = arith.constant dense<0.000000e+00> : vector<128xf32>
    %reduce_sum3A_45 = vector.multi_reduction <add>, %mul3A, %reduce_sum3A_44 [0] : vector<10000x128xf32> to vector<128xf32>
    %broadcast_in_dim3A_46 = vector.shape_cast %reduce_sum3A_45 : vector<128xf32> to vector<1x128xf32>
    %div3A_47 = arith.constant 1.000000e+04 : f32
    %div3A_48 = vector.broadcast %div3A_47 : f32 to vector<1x128xf32>
    %div3A_49 = arith.divf %broadcast_in_dim3A_46, %div3A_48 : vector<1x128xf32>
    %get3A_50 = arith.constant 0 : index
    %get3A_51 = arith.constant 0 : index
    %get3A_52 = vector.load %arg4[%get3A_50, %get3A_51] : memref<1x128xf32, #tpu.memory_space<vmem>>, vector<1x128xf32>
    %sub3A_53 = vector.broadcast %div3A_40 : vector<1x128xf32> to vector<10000x128xf32>
    %sub3A_54 = arith.subf %add3A_36, %sub3A_53 : vector<10000x128xf32>
    %mul3A_55 = vector.broadcast %get3A_52 : vector<1x128xf32> to vector<10000x128xf32>
    %mul3A_56 = arith.mulf %mul3A_55, %sub3A_54 : vector<10000x128xf32>
    %add3A_57 = arith.constant 9.99999974E-6 : f32
    %add3A_58 = vector.broadcast %add3A_57 : f32 to vector<1x128xf32>
    %add3A_59 = arith.addf %div3A_49, %add3A_58 : vector<1x128xf32>
    %rsqrt3A = math.rsqrt %add3A_59 : vector<1x128xf32>
    %mul3A_60 = vector.broadcast %rsqrt3A : vector<1x128xf32> to vector<10000x128xf32>
    %mul3A_61 = arith.mulf %mul3A_56, %mul3A_60 : vector<10000x128xf32>
    %get3A_62 = arith.constant 0 : index
    %get3A_63 = arith.constant 0 : index
    %get3A_64 = vector.load %arg5[%get3A_62, %get3A_63] : memref<1x128xf32, #tpu.memory_space<vmem>>, vector<1x128xf32>
    %add3A_65 = vector.broadcast %get3A_64 : vector<1x128xf32> to vector<10000x128xf32>
    %add3A_66 = arith.addf %mul3A_61, %add3A_65 : vector<10000x128xf32>
    %ge3A = arith.constant 0.000000e+00 : f32
    %ge3A_67 = vector.broadcast %ge3A : f32 to vector<10000x128xf32>
    %ge3A_68 = arith.cmpf oge, %add3A_66, %ge3A_67 : vector<10000x128xf32>
    %mul3A_69 = arith.constant 0.00999999977 : f32
    %mul3A_70 = vector.broadcast %mul3A_69 : f32 to vector<10000x128xf32>
    %mul3A_71 = arith.mulf %mul3A_70, %add3A_66 : vector<10000x128xf32>
    %select_n3A = arith.select %ge3A_68, %add3A_66, %mul3A_71 : vector<10000x128xi1>, vector<10000x128xf32>
    %swap3A = arith.constant 0 : index
    %swap3A_72 = arith.constant 0 : index
    %swap3A_73 = vector.load %arg6[%swap3A, %swap3A_72] : memref<10000x128xf32, #tpu.memory_space<vmem>>, vector<10000x128xf32>
    tpu.vector_store %arg6[%swap3A, %swap3A_72], %select_n3A {strides = array<i32>} : memref<10000x128xf32, #tpu.memory_space<vmem>>, vector<10000x128xf32>,
    %swap3A_74 = arith.constant 0 : index
    %swap3A_75 = arith.constant 0 : index
    %swap3A_76 = vector.load %arg7[%swap3A_74, %swap3A_75] : memref<10000x1xf32, #tpu.memory_space<vmem>>, vector<10000x1xf32>
    tpu.vector_store %arg7[%swap3A_74, %swap3A_75], %add3A_26 {strides = array<i32>} : memref<10000x1xf32, #tpu.memory_space<vmem>>, vector<10000x1xf32>,
    return
  }
}

module attributes {stable_mosaic.version = 14 : i64} {
  func.func @_layer2_tc(%arg0: memref<2x10000x128xf32, #tpu.memory_space<vmem>>, %arg1: memref<10000x128xf32, #tpu.memory_space<vmem>>, %arg2: memref<10000x1xf32, #tpu.memory_space<vmem>>, %arg3: memref<128x256xf32, #tpu.memory_space<vmem>>, %arg4: memref<1x256xf32, #tpu.memory_space<vmem>>, %arg5: memref<1x256xf32, #tpu.memory_space<vmem>>, %arg6: memref<1x256xf32, #tpu.memory_space<vmem>>, %arg7: memref<256x128xf32, #tpu.memory_space<vmem>>, %arg8: memref<256x128xf32, #tpu.memory_space<vmem>>, %arg9: memref<10000x256xf32, #tpu.memory_space<vmem>>, %arg10: memref<10000x128xf32, #tpu.memory_space<vmem>>, %arg11: memref<10000x128xf32, #tpu.memory_space<vmem>>) attributes {dimension_semantics = [], scalar_prefetch = 0 : i64, scratch_operands = 0 : i64, tpu.core_type = #tpu.core_type<tc>} {
    %get3A = arith.constant 0 : index
    %get3A_0 = arith.constant 0 : index
    %get3A_1 = arith.constant 0 : index
    %get3A_2 = vector.load %arg0[%get3A, %get3A_0, %get3A_1] : memref<2x10000x128xf32, #tpu.memory_space<vmem>>, vector<1x10000x128xf32>
    %get3A_3 = vector.shape_cast %get3A_2 : vector<1x10000x128xf32> to vector<10000x128xf32>
    %get3A_4 = arith.constant 1 : index
    %get3A_5 = arith.constant 0 : index
    %get3A_6 = arith.constant 0 : index
    %get3A_7 = vector.load %arg0[%get3A_4, %get3A_5, %get3A_6] : memref<2x10000x128xf32, #tpu.memory_space<vmem>>, vector<1x10000x128xf32>
    %get3A_8 = vector.shape_cast %get3A_7 : vector<1x10000x128xf32> to vector<10000x128xf32>
    %add3A = arith.addf %get3A_3, %get3A_8 : vector<10000x128xf32>
    %get3A_9 = arith.constant 0 : index
    %get3A_10 = arith.constant 0 : index
    %get3A_11 = vector.load %arg1[%get3A_9, %get3A_10] : memref<10000x128xf32, #tpu.memory_space<vmem>>, vector<10000x128xf32>
    %add3A_12 = arith.addf %add3A, %get3A_11 : vector<10000x128xf32>
    %get3A_13 = arith.constant 0 : index
    %get3A_14 = arith.constant 0 : index
    %get3A_15 = vector.load %arg2[%get3A_13, %get3A_14] : memref<10000x1xf32, #tpu.memory_space<vmem>>, vector<10000x1xf32>
    %div3A = vector.broadcast %get3A_15 : vector<10000x1xf32> to vector<10000x128xf32>
    %div3A_16 = arith.divf %add3A_12, %div3A : vector<10000x128xf32>
    %get3A_17 = arith.constant 0 : index
    %get3A_18 = arith.constant 0 : index
    %get3A_19 = vector.load %arg3[%get3A_17, %get3A_18] : memref<128x256xf32, #tpu.memory_space<vmem>>, vector<128x256xf32>
    %dot_general3A = arith.constant dense<0.000000e+00> : vector<10000x256xf32>
    %dot_general3A_20 = tpu.matmul %div3A_16, %get3A_19, %dot_general3A {dimension_numbers = #tpu.dot_dimension_numbers<[1], [0], [0], [1], [0, 0, 1, 1], [], []>, transpose_lhs_hint = false} : vector<10000x128xf32>, vector<128x256xf32>, vector<10000x256xf32> -> vector<10000x256xf32>
    %get3A_21 = arith.constant 0 : index
    %get3A_22 = arith.constant 0 : index
    %get3A_23 = vector.load %arg4[%get3A_21, %get3A_22] : memref<1x256xf32, #tpu.memory_space<vmem>>, vector<1x256xf32>
    %add3A_24 = vector.broadcast %get3A_23 : vector<1x256xf32> to vector<10000x256xf32>
    %add3A_25 = arith.addf %dot_general3A_20, %add3A_24 : vector<10000x256xf32>
    %reduce_sum3A = arith.constant dense<0.000000e+00> : vector<256xf32>
    %reduce_sum3A_26 = vector.multi_reduction <add>, %add3A_25, %reduce_sum3A [0] : vector<10000x256xf32> to vector<256xf32>
    %broadcast_in_dim3A = vector.shape_cast %reduce_sum3A_26 : vector<256xf32> to vector<1x256xf32>
    %div3A_27 = arith.constant 1.000000e+04 : f32
    %div3A_28 = vector.broadcast %div3A_27 : f32 to vector<1x256xf32>
    %div3A_29 = arith.divf %broadcast_in_dim3A, %div3A_28 : vector<1x256xf32>
    %sub3A = vector.broadcast %div3A_29 : vector<1x256xf32> to vector<10000x256xf32>
    %sub3A_30 = arith.subf %add3A_25, %sub3A : vector<10000x256xf32>
    %sub3A_31 = vector.broadcast %div3A_29 : vector<1x256xf32> to vector<10000x256xf32>
    %sub3A_32 = arith.subf %add3A_25, %sub3A_31 : vector<10000x256xf32>
    %mul3A = arith.mulf %sub3A_30, %sub3A_32 : vector<10000x256xf32>
    %reduce_sum3A_33 = arith.constant dense<0.000000e+00> : vector<256xf32>
    %reduce_sum3A_34 = vector.multi_reduction <add>, %mul3A, %reduce_sum3A_33 [0] : vector<10000x256xf32> to vector<256xf32>
    %broadcast_in_dim3A_35 = vector.shape_cast %reduce_sum3A_34 : vector<256xf32> to vector<1x256xf32>
    %div3A_36 = arith.constant 1.000000e+04 : f32
    %div3A_37 = vector.broadcast %div3A_36 : f32 to vector<1x256xf32>
    %div3A_38 = arith.divf %broadcast_in_dim3A_35, %div3A_37 : vector<1x256xf32>
    %get3A_39 = arith.constant 0 : index
    %get3A_40 = arith.constant 0 : index
    %get3A_41 = vector.load %arg5[%get3A_39, %get3A_40] : memref<1x256xf32, #tpu.memory_space<vmem>>, vector<1x256xf32>
    %sub3A_42 = vector.broadcast %div3A_29 : vector<1x256xf32> to vector<10000x256xf32>
    %sub3A_43 = arith.subf %add3A_25, %sub3A_42 : vector<10000x256xf32>
    %mul3A_44 = vector.broadcast %get3A_41 : vector<1x256xf32> to vector<10000x256xf32>
    %mul3A_45 = arith.mulf %mul3A_44, %sub3A_43 : vector<10000x256xf32>
    %add3A_46 = arith.constant 9.99999974E-6 : f32
    %add3A_47 = vector.broadcast %add3A_46 : f32 to vector<1x256xf32>
    %add3A_48 = arith.addf %div3A_38, %add3A_47 : vector<1x256xf32>
    %rsqrt3A = math.rsqrt %add3A_48 : vector<1x256xf32>
    %mul3A_49 = vector.broadcast %rsqrt3A : vector<1x256xf32> to vector<10000x256xf32>
    %mul3A_50 = arith.mulf %mul3A_45, %mul3A_49 : vector<10000x256xf32>
    %get3A_51 = arith.constant 0 : index
    %get3A_52 = arith.constant 0 : index
    %get3A_53 = vector.load %arg6[%get3A_51, %get3A_52] : memref<1x256xf32, #tpu.memory_space<vmem>>, vector<1x256xf32>
    %add3A_54 = vector.broadcast %get3A_53 : vector<1x256xf32> to vector<10000x256xf32>
    %add3A_55 = arith.addf %mul3A_50, %add3A_54 : vector<10000x256xf32>
    %ge3A = arith.constant 0.000000e+00 : f32
    %ge3A_56 = vector.broadcast %ge3A : f32 to vector<10000x256xf32>
    %ge3A_57 = arith.cmpf oge, %add3A_55, %ge3A_56 : vector<10000x256xf32>
    %mul3A_58 = arith.constant 0.00999999977 : f32
    %mul3A_59 = vector.broadcast %mul3A_58 : f32 to vector<10000x256xf32>
    %mul3A_60 = arith.mulf %mul3A_59, %add3A_55 : vector<10000x256xf32>
    %select_n3A = arith.select %ge3A_57, %add3A_55, %mul3A_60 : vector<10000x256xi1>, vector<10000x256xf32>
    %swap3A = arith.constant 0 : index
    %swap3A_61 = arith.constant 0 : index
    %swap3A_62 = vector.load %arg9[%swap3A, %swap3A_61] : memref<10000x256xf32, #tpu.memory_space<vmem>>, vector<10000x256xf32>
    tpu.vector_store %arg9[%swap3A, %swap3A_61], %select_n3A {strides = array<i32>} : memref<10000x256xf32, #tpu.memory_space<vmem>>, vector<10000x256xf32>,
    %get3A_63 = arith.constant 0 : index
    %get3A_64 = arith.constant 0 : index
    %get3A_65 = vector.load %arg7[%get3A_63, %get3A_64] : memref<256x128xf32, #tpu.memory_space<vmem>>, vector<256x128xf32>
    %dot_general3A_66 = arith.constant dense<0.000000e+00> : vector<10000x128xf32>
    %dot_general3A_67 = tpu.matmul %select_n3A, %get3A_65, %dot_general3A_66 {dimension_numbers = #tpu.dot_dimension_numbers<[1], [0], [0], [1], [0, 0, 1, 1], [], []>, transpose_lhs_hint = false} : vector<10000x256xf32>, vector<256x128xf32>, vector<10000x128xf32> -> vector<10000x128xf32>
    %swap3A_68 = arith.constant 0 : index
    %swap3A_69 = arith.constant 0 : index
    %swap3A_70 = vector.load %arg10[%swap3A_68, %swap3A_69] : memref<10000x128xf32, #tpu.memory_space<vmem>>, vector<10000x128xf32>
    tpu.vector_store %arg10[%swap3A_68, %swap3A_69], %dot_general3A_67 {strides = array<i32>} : memref<10000x128xf32, #tpu.memory_space<vmem>>, vector<10000x128xf32>,
    %get3A_71 = arith.constant 0 : index
    %get3A_72 = arith.constant 0 : index
    %get3A_73 = vector.load %arg8[%get3A_71, %get3A_72] : memref<256x128xf32, #tpu.memory_space<vmem>>, vector<256x128xf32>
    %dot_general3A_74 = arith.constant dense<0.000000e+00> : vector<10000x128xf32>
    %dot_general3A_75 = tpu.matmul %select_n3A, %get3A_73, %dot_general3A_74 {dimension_numbers = #tpu.dot_dimension_numbers<[1], [0], [0], [1], [0, 0, 1, 1], [], []>, transpose_lhs_hint = false} : vector<10000x256xf32>, vector<256x128xf32>, vector<10000x128xf32> -> vector<10000x128xf32>
    %swap3A_76 = arith.constant 0 : index
    %swap3A_77 = arith.constant 0 : index
    %swap3A_78 = vector.load %arg11[%swap3A_76, %swap3A_77] : memref<10000x128xf32, #tpu.memory_space<vmem>>, vector<10000x128xf32>
    tpu.vector_store %arg11[%swap3A_76, %swap3A_77], %dot_general3A_75 {strides = array<i32>} : memref<10000x128xf32, #tpu.memory_space<vmem>>, vector<10000x128xf32>,
    return
  }
}

module attributes {stable_mosaic.version = 14 : i64} {
  func.func @_edge_mlp_tc(%arg0: i32, %arg1: memref<2000x128xf32, #tpu.memory_space<vmem>>, %arg2: memref<1x128xf32, #tpu.memory_space<vmem>>, %arg3: memref<128x64xf32, #tpu.memory_space<vmem>>, %arg4: memref<1x64xf32, #tpu.memory_space<vmem>>, %arg5: memref<64x1xf32, #tpu.memory_space<vmem>>, %arg6: memref<1x1xf32, #tpu.memory_space<vmem>>, %arg7: memref<2000x1xf32, #tpu.memory_space<vmem>>) attributes {dimension_semantics = [#tpu.dimension_semantics<arbitrary>], iteration_bounds = array<i64: 160>, scalar_prefetch = 0 : i64, scratch_operands = 0 : i64, tpu.core_type = #tpu.core_type<tc>, window_params = [{transform_indices = @transform_0, window_bounds = array<i64: 2000, 128>}, {pipeline_mode = #tpu.pipeline_mode<synchronous>, transform_indices = @transform_1, window_bounds = array<i64: 1, 128>}, {pipeline_mode = #tpu.pipeline_mode<synchronous>, transform_indices = @transform_2, window_bounds = array<i64: 128, 64>}, {pipeline_mode = #tpu.pipeline_mode<synchronous>, transform_indices = @transform_3, window_bounds = array<i64: 1, 64>}, {pipeline_mode = #tpu.pipeline_mode<synchronous>, transform_indices = @transform_4, window_bounds = array<i64: 64, 1>}, {pipeline_mode = #tpu.pipeline_mode<synchronous>, transform_indices = @transform_5, window_bounds = array<i64: 1, 1>}, {transform_indices = @transform_6, window_bounds = array<i64: 2000, 1>}]} {
    %get3A = arith.constant 0 : index
    %get3A_0 = arith.constant 0 : index
    %get3A_1 = vector.load %arg1[%get3A, %get3A_0] : memref<2000x128xf32, #tpu.memory_space<vmem>>, vector<2000x128xf32>
    %get3A_2 = arith.constant 0 : index
    %get3A_3 = arith.constant 0 : index
    %get3A_4 = vector.load %arg2[%get3A_2, %get3A_3] : memref<1x128xf32, #tpu.memory_space<vmem>>, vector<1x128xf32>
    %add3A = vector.broadcast %get3A_4 : vector<1x128xf32> to vector<2000x128xf32>
    %add3A_5 = arith.addf %get3A_1, %add3A : vector<2000x128xf32>
    %max3A = arith.constant 0.000000e+00 : f32
    %max3A_6 = vector.broadcast %max3A : f32 to vector<2000x128xf32>
    %max3A_7 = arith.maximumf %add3A_5, %max3A_6 : vector<2000x128xf32>
    %get3A_8 = arith.constant 0 : index
    %get3A_9 = arith.constant 0 : index
    %get3A_10 = vector.load %arg3[%get3A_8, %get3A_9] : memref<128x64xf32, #tpu.memory_space<vmem>>, vector<128x64xf32>
    %dot_general3A = arith.constant dense<0.000000e+00> : vector<2000x64xf32>
    %dot_general3A_11 = tpu.matmul %max3A_7, %get3A_10, %dot_general3A {dimension_numbers = #tpu.dot_dimension_numbers<[1], [0], [0], [1], [0, 0, 1, 1], [], []>, transpose_lhs_hint = false} : vector<2000x128xf32>, vector<128x64xf32>, vector<2000x64xf32> -> vector<2000x64xf32>
    %get3A_12 = arith.constant 0 : index
    %get3A_13 = arith.constant 0 : index
    %get3A_14 = vector.load %arg4[%get3A_12, %get3A_13] : memref<1x64xf32, #tpu.memory_space<vmem>>, vector<1x64xf32>
    %add3A_15 = vector.broadcast %get3A_14 : vector<1x64xf32> to vector<2000x64xf32>
    %add3A_16 = arith.addf %dot_general3A_11, %add3A_15 : vector<2000x64xf32>
    %max3A_17 = arith.constant 0.000000e+00 : f32
    %max3A_18 = vector.broadcast %max3A_17 : f32 to vector<2000x64xf32>
    %max3A_19 = arith.maximumf %add3A_16, %max3A_18 : vector<2000x64xf32>
    %get3A_20 = arith.constant 0 : index
    %get3A_21 = arith.constant 0 : index
    %get3A_22 = vector.load %arg5[%get3A_20, %get3A_21] : memref<64x1xf32, #tpu.memory_space<vmem>>, vector<64x1xf32>
    %dot_general3A_23 = arith.constant dense<0.000000e+00> : vector<2000x1xf32>
    %dot_general3A_24 = tpu.matmul %max3A_19, %get3A_22, %dot_general3A_23 {dimension_numbers = #tpu.dot_dimension_numbers<[1], [0], [0], [1], [0, 0, 1, 1], [], []>, transpose_lhs_hint = false} : vector<2000x64xf32>, vector<64x1xf32>, vector<2000x1xf32> -> vector<2000x1xf32>
    %get3A_25 = arith.constant 0 : index
    %get3A_26 = arith.constant 0 : index
    %get3A_27 = vector.load %arg6[%get3A_25, %get3A_26] : memref<1x1xf32, #tpu.memory_space<vmem>>, vector<1x1xf32>
    %add3A_28 = vector.broadcast %get3A_27 : vector<1x1xf32> to vector<2000x1xf32>
    %add3A_29 = arith.addf %dot_general3A_24, %add3A_28 : vector<2000x1xf32>
    %logistic3A = arith.negf %add3A_29 : vector<2000x1xf32>
    %logistic3A_30 = math.exp %logistic3A : vector<2000x1xf32>
    %logistic3A_31 = arith.constant 1.000000e+00 : f32
    %logistic3A_32 = vector.broadcast %logistic3A_31 : f32 to vector<2000x1xf32>
    %logistic3A_33 = arith.addf %logistic3A_32, %logistic3A_30 : vector<2000x1xf32>
    %logistic3A_34 = arith.divf %logistic3A_32, %logistic3A_33 : vector<2000x1xf32>
    %swap3A = arith.constant 0 : index
    %swap3A_35 = arith.constant 0 : index
    %swap3A_36 = vector.load %arg7[%swap3A, %swap3A_35] : memref<2000x1xf32, #tpu.memory_space<vmem>>, vector<2000x1xf32>
    tpu.vector_store %arg7[%swap3A, %swap3A_35], %logistic3A_34 {strides = array<i32>} : memref<2000x1xf32, #tpu.memory_space<vmem>>, vector<2000x1xf32>,
    return
  }
  func.func @transform_0(%arg0: i32) -> (i32, i32) {
    %c0_i32 = arith.constant 0 : i32
    %c0_i32_0 = arith.constant 0 : i32
    return %arg0, %c0_i32 : i32, i32
  }
  func.func @transform_1(%arg0: i32) -> (i32, i32) {
    %c0_i32 = arith.constant 0 : i32
    %c0_i32_0 = arith.constant 0 : i32
    %c0_i32_1 = arith.constant 0 : i32
    return %c0_i32, %c0_i32_0 : i32, i32
  }
  func.func @transform_2(%arg0: i32) -> (i32, i32) {
    %c0_i32 = arith.constant 0 : i32
    %c0_i32_0 = arith.constant 0 : i32
    %c0_i32_1 = arith.constant 0 : i32
    return %c0_i32, %c0_i32_0 : i32, i32
  }
  func.func @transform_3(%arg0: i32) -> (i32, i32) {
    %c0_i32 = arith.constant 0 : i32
    %c0_i32_0 = arith.constant 0 : i32
    %c0_i32_1 = arith.constant 0 : i32
    return %c0_i32, %c0_i32_0 : i32, i32
  }
  func.func @transform_4(%arg0: i32) -> (i32, i32) {
    %c0_i32 = arith.constant 0 : i32
    %c0_i32_0 = arith.constant 0 : i32
    %c0_i32_1 = arith.constant 0 : i32
    return %c0_i32, %c0_i32_0 : i32, i32
  }
  func.func @transform_5(%arg0: i32) -> (i32, i32) {
    %c0_i32 = arith.constant 0 : i32
    %c0_i32_0 = arith.constant 0 : i32
    %c0_i32_1 = arith.constant 0 : i32
    return %c0_i32, %c0_i32_0 : i32, i32
  }
  func.func @transform_6(%arg0: i32) -> (i32, i32) {
    %c0_i32 = arith.constant 0 : i32
    %c0_i32_0 = arith.constant 0 : i32
    return %arg0, %c0_i32 : i32, i32
  }
}

</mosaic_0001>

<sc_bundles>
// kernel: kernel.11.cloned.1.call-start
scs
__scs_entry_jumppad:
0x0: {  	(pc) =	sbr.rel $0x88, $3  }
0x1: {  	(tag) =	ssettag $0x0;
	lr =	simm.s32 $0x1  }
0x2: {  	[smem:$0x3F91] =	sst lr;
	_ =	strace $0xD0000000  }
0x3: {  	_ = 	snop  }
0x4: {  	_ = 	snop  }
0x5: {  	_ = 	snop  }
0x6: {  	_ = 	snop  }
0x7: {  	_ = 	snop  }
__scs_overlays_trampoline_lowered:
0x8: {  	[smem:$0x3FA0] =	sst s0  }
0x9: {  	[smem:$0x3FA1] =	sst s1  }
0xa: {  	[smem:$0x3FA2] =	sst s2  }
0xb: {  	[smem:$0x3FA3] =	sst s3  }
0xc: {  	[smem:$0x3FA4] =	sst s4  }
0xd: {  	[smem:$0x3FA5] =	sst s5  }
0xe: {  	[smem:$0x3FA6] =	sst s6  }
0xf: {  	[smem:$0x3FA7] =	sst s7  }
0x10: {  	[smem:$0x3FA8] =	sst s8  }
0x11: {  	[smem:$0x3FA9] =	sst s9;
	s0 =	simm.s32 @!p0 $0x0  }
0x12: {  	s1 =	sld [smem:$0x3F8F];
	s0 =	simm.s32 @p0 $0x1  }
0x13: {  	[smem:$0x3FAA] =	sst s0;
	s0 =	simm.s32 @!p1 $0x0  }
0x14: {  	s2 =	sld [smem:$0x3F8E];
	s0 =	simm.s32 @p1 $0x1  }
0x15: {  	[smem:$0x3FAB] =	sst s0;
	s0 =	simm.s32 @!p2 $0x0  }
0x16: {  	s3 =	sld [smem:$0x3FDB];
	s0 =	simm.s32 @p2 $0x1  }
0x17: {  	s4 =	simm.s32 $0x1BF5;
	[smem:$0x3FAD] =	sst s0  }
0x18: {  	s0 =	sld [smem:$0x3F90];
	_ =	swait.ge [sflag:s4], $0x0  }
0x19: {  	s7 =	sld [smem:$0x3F91]  }
0x1a: {  	s8 =	sadd.s32 $0xFFFFE003, lr  }
0x1b: {  	s9 =	sadd.s32 $0xFFFFFEF7, lr;
	s5 =	simm.s32 $0xFFFFFFFF;
	p2 =	slt.u32 s8, $0xFFFFF086  }
0x1c: {  	p1 =	slt.u32 s9, $0xF7A;
	s5 =	simm.s32 @!p2 $0x0  }
0x1d: {  	s5 =	simm.s32 @p1 $0x1;
	p0 =	seq.s32 s7, s2  }
0x1e: {  	s7 =	smul.u32 @!p0 $0xF7A, s2;
	p2 =	seq.s32 @!p0 s5, $0x0  }
0x1f: {  	s9 =	smul.u32 $0xF7A, s1;
	s8 =	simm.s32 @!p0 $0x1BF5;
	p2 =	por !p2, p0  }
0x20: {  	[sflag:s8] =	ssyncset.s32 @!p0 $0xFFFFF086;
	s6 =	sadd.s32 @!p0 s3, s7;
	s7 =	simm.s32 @!p0 $0x108  }
0x21: {  	s3 =	sadd.s32 s3, s9;
	s6 =	sadd.s32 @!p0 $0x88, s6;
	s7 =	simm.s32 @p2 $0x1082  }
0x22: {  	[simem:s7], [sflag:s8] =	dma.local @!p0 [hbm:s6], $0xF7A  }
0x23: {  	s9 =	sor.u32 $0xD0000000, s2;
	s6 =	simm.s32 $0x108;
	_ =	swait.ge @!p0 [sflag:s8], $0x0  }
0x24: {  	s3 =	sadd.s32 $0x88, s3;
	s6 =	simm.s32 @!p1 $0x1082;
	[sflag:s4] =	ssyncset.s32 $0xFFFFF086  }
0x25: {  	[simem:s6], [sflag:s4] =	dma.local [hbm:s3], $0xF7A  }
0x26: {  	[smem:$0x3F91] =	sst s1;
	(tag) =	ssettag s2;
	_ =	strace s9  }
0x27: {  	s1 =	sld [smem:$0x3FA1]  }
0x28: {  	s2 =	sld [smem:$0x3FA2]  }
0x29: {  	s4 =	sld [smem:$0x3FA4]  }
0x2a: {  	p0 =	seq.s32 s5, $0x0;
	s5 =	sld [smem:$0x3FA5]  }
0x2b: {  	s6 =	sld [smem:$0x3FA6]  }
0x2c: {  	s7 =	sld [smem:$0x3FA7]  }
0x2d: {  	s3 =	simm.s32 $0x108;
	s8 =	sld [smem:$0x3FA8]  }
0x2e: {  	s3 =	simm.s32 @!p0 $0x1082;
	s9 =	sld [smem:$0x3FA9]  }
0x2f: {  	lr =	sadd.s32 s0, s3;
	s0 =	sld [smem:$0x3FA0]  }
0x30: {  	s3 =	sld [smem:$0x3FA3]  }
0x31: {  	[smem:$0x3FAC] =	sst s10  }
0x32: {  	s10 =	sld [smem:$0x3FAA];
	_ =	sdelay $0x3  }
0x33: {  	p0 =	seq.s32 s10, $0x1;
	s10 =	sld [smem:$0x3FAC];
	_ =	sdelay $0x3  }
0x34: {  	[smem:$0x3FAC] =	sst s10  }
0x35: {  	s10 =	sld [smem:$0x3FAB];
	_ =	sdelay $0x3  }
0x36: {  	p1 =	seq.s32 s10, $0x1;
	s10 =	sld [smem:$0x3FAC];
	_ =	sdelay $0x3  }
0x37: {  	[smem:$0x3FAC] =	sst s10  }
0x38: {  	s10 =	sld [smem:$0x3FAD]  }
0x39: {  	_ = 	snop;
	(pc) =	sbr.ind lr, $3  }
0x3a: {  	_ = 	snop  }
0x3b: {  	_ = 	snop  }
0x3c: {  	p2 =	seq.s32 s10, $0x1;
	s10 =	sld [smem:$0x3FAC]  }
0x3d: {  	_ =	shalt  }
0x3e: {  	_ =	shalt  }
0x3f: {  	_ =	shalt  }
0x40: {  	_ =	shalt  }
0x41: {  	_ =	shalt  }
0x42: {  	_ =	shalt  }
0x43: {  	_ =	shalt  }
0x44: {  	_ =	shalt  }
0x45: {  	_ =	shalt  }
0x46: {  	_ =	shalt  }
0x47: {  	_ =	shalt  }
0x48: {  	_ =	shalt  }
0x49: {  	_ =	shalt  }
0x4a: {  	_ =	shalt  }
0x4b: {  	_ =	shalt  }
0x4c: {  	_ =	shalt  }
0x4d: {  	_ =	shalt  }
0x4e: {  	_ =	shalt  }
0x4f: {  	_ =	shalt  }
0x50: {  	_ =	shalt  }
0x51: {  	_ =	shalt  }
0x52: {  	_ =	shalt  }
0x53: {  	_ =	shalt  }
0x54: {  	_ =	shalt  }
0x55: {  	_ =	shalt  }
0x56: {  	_ =	shalt  }
0x57: {  	_ =	shalt  }
0x58: {  	_ =	shalt  }
0x59: {  	_ =	shalt  }
0x5a: {  	_ =	shalt  }
0x5b: {  	_ =	shalt  }
0x5c: {  	_ =	shalt  }
0x5d: {  	_ =	shalt  }
0x5e: {  	_ =	shalt  }
0x5f: {  	_ =	shalt  }
0x60: {  	_ =	shalt  }
0x61: {  	_ =	shalt  }
0x62: {  	_ =	shalt  }
0x63: {  	_ =	shalt  }
0x64: {  	_ =	shalt  }
0x65: {  	_ =	shalt  }
0x66: {  	_ =	shalt  }
0x67: {  	_ =	shalt  }
0x68: {  	_ =	shalt  }
0x69: {  	_ =	shalt  }
0x6a: {  	_ =	shalt  }
0x6b: {  	_ =	shalt  }
0x6c: {  	_ =	shalt  }
0x6d: {  	_ =	shalt  }
0x6e: {  	_ =	shalt  }
0x6f: {  	_ =	shalt  }
0x70: {  	_ =	shalt  }
0x71: {  	_ =	shalt  }
0x72: {  	_ =	shalt  }
0x73: {  	_ =	shalt  }
0x74: {  	_ =	shalt  }
0x75: {  	_ =	shalt  }
0x76: {  	_ =	shalt  }
0x77: {  	_ =	shalt  }
0x78: {  	_ =	shalt  }
0x79: {  	_ =	shalt  }
0x7a: {  	_ =	shalt  }
0x7b: {  	_ =	shalt  }
0x7c: {  	_ =	shalt  }
0x7d: {  	_ =	shalt  }
0x7e: {  	_ =	shalt  }
0x7f: {  	_ =	shalt  }
0x80: {  	_ =	shalt  }
0x81: {  	_ =	shalt  }
0x82: {  	_ =	shalt  }
0x83: {  	_ =	shalt  }
0x84: {  	_ =	shalt  }
0x85: {  	_ =	shalt  }
0x86: {  	_ =	shalt  }
0x87: {  	_ =	shalt  }
.Lfunc_end0:
.L_simem_size_0:
called_computation.1_lowered:
.L_overlay_start_0:
0x88: {  	s2 =	sld [smem:$0x3FD9]  }
0x89: {  	s3 =	sld [smem:$0x3FFE];
	_ =	sdelay $0x1  }
0x8a: {  	s1 =	srdreg.scid  }
0x8b: {  	s0 =	sand.u32 $0x1, s1  }
0x8c: {  	s14 =	sshll.u32 s0, $0xA;
	s2 =	sadd.s32 s3, s2  }
0x8d: {  	s2 =	sadd.s32 s2, s14  }
0x8e: {  	[smem:$0x3FB8] =	sst s2  }
0x8f: {  	_ = 	snop  }
0x90: {  	s2 =	sld [smem:$0x3FD0];
	_ =	sdelay $0x2  }
0x91: {  	s15 =	simm.s32 $0xA;
	s4 =	simm.s32 $0x10  }
0x92: {  	[smem:s4], [sflag:s15] =	dma.local [hbm:s2], $0x1  }
0x93: {  	_ =	swait.eq [sflag:s15], $0x1  }
0x94: {  	[sflag:s15] =	ssyncset.done $0x0  }
0x95: {  	[sflag:s15] =	ssyncadd.s32 $0xFFFFFFFF  }
0x96: {  	s16 =	sld [smem:$0x10];
	(tm) =	ssettm $0x1  }
0x97: {  	s17 =	sld [smem:$0x3FFB];
	_ =	sdelay $0x3  }
0x98: {  	_ =	strace s17  }
0x99: {  	s3 =	sld [smem:$0x3FFC];
	_ =	sdelay $0x3  }
0x9a: {  	_ =	strace s3  }
0x9b: {  	s3 =	sld [smem:$0x3FFD];
	_ =	sdelay $0x3  }
0x9c: {  	_ =	strace s3  }
0x9d: {  	_ =	strace $0x8FFFFFFF  }
0x9e: {  	s18 =	sld [smem:$0x3FDB];
	_ =	sdelay $0x1  }
0x9f: {  	s19 =	simm.s32 $_scs_section_size  }
0xa0: {  	s5 =	simm.s32 $_size__tile_overlayer_lowered;
	s6 =	simm.s32 $_tile_overlayer_lowered  }
0xa1: {  	s22 =	simm.s32 $0x1BFF;
	s21 =	sshll.u32 s6, $0x1;
	s3 =	sadd.s32 s19, s18  }
0xa2: {  	s7 =	simm.s32 $0x0;
	s20 =	sshll.u32 s5, $0x1;
	s5 =	sadd.s32 s21, s3  }
0xa3: {  	[timem:s7], [sflag:s22] =	dma.local [hbm:s5], s20  }
0xa4: {  	_ =	swait.ge [sflag:s22], s20  }
0xa5: {  	s4 =	ssub.s32 $0x0, s20;
	[sflag:s22] =	ssyncset.done $0x0  }
0xa6: {  	[sflag:s22] =	ssyncadd.s32 s4;
	_ =	sdelay $0x1  }
0xa7: {  	s23 =	simm.s32 $0x1B8B  }
0xa8: {  	_ =	swait.ge [sflag:s23], $0x1  }
0xa9: {  	[sflag:s23] =	ssyncset.done $0x0  }
0xaa: {  	s25 =	simm.s32 $0x1B8E;
	s24 =	sld [smem:$0x3FFE];
	[sflag:s23] =	ssyncadd.s32 $0xFFFFFFFF  }
0xab: {  	s26 =	simm.s32 $execute0_lowered;
	[smem:$0x3FD2] =	sst s25  }
0xac: {  	s5 =	sshll.u32 s26, $0x1;
	_ =	strace $0x80000049;
	[dreg:$0x1] =	wrdreg $0xFFFFFFFF  }
0xad: {  	s28 =	simm.s32 $_size_execute0_lowered;
	s3 =	sadd.s32 s3, s5;
	[dreg:$0x0] =	wrdreg $0x0  }
0xae: {  	s5 =	sshll.u32 s28, $0x1;
	[dreg:$0x2] =	wrdreg s3  }
0xaf: {  	[dreg:$0x3] =	wrdreg s5  }
0xb0: {  	[dreg:$0x4] =	wrdreg $0xC0  }
0xb1: {  	_ =	task [dreg:s7], $0x5FFFF  }
0xb2: {  	[dreg:$0x1] =	wrdreg $0xFFFFFFFF  }
0xb3: {  	[dreg:$0x0] =	wrdreg $0x60  }
0xb4: {  	[dreg:$0x2] =	wrdreg s16  }
0xb5: {  	[dreg:$0x3] =	wrdreg s24  }
0xb6: {  	[dreg:$0x4] =	wrdreg $0x8E800  }
0xb7: {  	[dreg:$0x5] =	wrdreg $0x9  }
0xb8: {  	_ =	task.clear_ibuf [dreg:s7], $0x6FFFF;
	_ =	strace $0x90000049  }
0xb9: {  	s29 =	simm.s32 $0x9;
	_ =	strace $0x8000004B  }
0xba: {  	_ =	swait.ge [sflag:s29], $0x1  }
0xbb: {  	[sflag:s29] =	ssyncadd.s32 $0xFFFFFFFF  }
0xbc: {  	_ =	strace $0x9000004B  }
0xbd: {  	_ =	sfence  }
0xbe: {  	s30 =	sld [smem:$0x0];
	_ =	sdelay $0x2  }
0xbf: {  	s31 =	sshll.u32 s1, $0xD;
	s1 =	sshrl.u32 s1, $0x2  }
0xc0: {  	s3 =	sand.u32 $0x4000, s31;
	s1 =	sadd.s32 s1, s30  }
0xc1: {  	s0 =	sor.u32 s3, s0;
	s1 =	sshll.u32 s1, $0x11  }
0xc2: {  	s0 =	sor.u32 s1, s0  }
0xc3: {  	s0 =	sadd.s32 $0x8F2B, s0  }
0xc4: {  	[sflag:s0] =	ssyncadd.remote.s32 $0x1  }
0xc5: {  	_ =	sfence.sel $0xFFFF  }
0xc6: {  	[dreg:$0x0] =	wrdreg $0xFFFFFFFF;
	(pc) =	sbr.abs _section_cstart, $3  }
0xc7: {  	[dreg:$0x1] =	wrdreg $0xFFFFFFFF  }
0xc8: {  	_ =	task.clear_ibuf [dreg:s7], $0x2FFFF;
	_ =	strace $0x9FFFFFFF  }
0xc9: {  	(tm) =	ssettm $0x7FFFFFFF  }
tec
execute0_lowered:
.L_overlay_start_1:
0x0: {  	(tag) =	ssettag $0x1  }
0x1: {  	s1 =	rddreg [dreg:$0x0]  }
0x2: {  	s5 =	rddreg [dreg:$0x1]  }
0x3: {  	s2 =	rddreg [dreg:$0x2]  }
0x4: {  	s3 =	srdreg.scid;
	s0 =	rddreg [dreg:$0x3]  }
0x5: {  	s4 =	simm.s32 $0x0;
	s13 =	simm.s32 $0x7D;
	s14 =	simm.s32 $0x5000  }
0x6: {  	s15 =	simm.s32 $0x1;
	s6 =	sand.u32 $0x1, s3;
	s3 =	stileid.u32  }
0x7: {  	[smem:$0x7FF] =	sst s4;
	s7 =	sshll.u32 s6, $0x4;
	s8 =	smul.u32 $0x13880, s3  }
0x8: {  	_ =	strace $0x8000004A;
	s9 =	smul.u32 $0x27100, s6;
	s6 =	ssub.s32 $0x2, s6  }
0x9: {  	s31 =	sshll.u32 s3, $0x6;
	s7 =	sor.u32 s3, s7;
	s11 =	sshrl.u32 s6, $0x1  }
0xa: {  	s7 =	smul.u32 $0x500, s7;
	s16 =	sshrl.u32 s8, $0x3;
	s9 =	sadd.s32 s9, s5  }
0xb: {  	s11 =	ssub.s32 s6, s11;
	s12 =	sadd.s32 s8, s2;
	s6 =	sor.u32 $0x1C02, s31  }
0xc: {  	s30 =	sadd.s32 s16, s5;
	s17 =	sadd.s32 $0x3E600, s9;
	s9 =	smax.u32 s11, $0x1  }
0xd: {  	s11 =	simm.s32 $0x2;
	s10 =	sadd.s32 s7, s5;
	s5 =	sadd.s32 $0x17400, s30  }
0xe: {  	s16 =	sadd.s32 s16, s17;
	s17 =	simm.s32 $0x0;
	s7 =	sadd.s32 $0xD400, s10  }
0xf: {  	s8 =	sadd.s32 $0x3400, s10;
	s10 =	sshrl.u32 s12, $0x3;
	s12 =	simm.s32 $0x2800  }
.LBB2_1:
0x10: {  	[spmem:s10], [sflag:s6] =	dma.local [hbm:s5], $0x2710  }
0x11: {  	_ =	swait.ge [sflag:s11], $0x2710  }
0x12: {  	[sflag:s11] =	ssyncset.done $0x0  }
0x13: {  	[sflag:s11] =	ssyncadd.s32 $0xFFFFD8F0  }
0x14: {  	[tilespmem:s4], [sflag:$0x2] =	stream.linear.gather [hbm4b:s7+s4], $0x2800, $0x38;
	[tilespmem:$0x1C700] =	vst v63  }
0x15: {  	_ =	swait.ge [sflag:s11], $0x2800  }
0x16: {  	[sflag:s11] =	ssyncset.done $0x0  }
0x17: {  	[sflag:s11] =	ssyncadd.s32 $0xFFFFD800  }
0x18: {  	[tilespmem:s12], [sflag:$0x2] =	stream.linear.gather [hbm4b:s8+s4], $0x2800, $0x38;
	[tilespmem:$0x1C700] =	vst v63  }
0x19: {  	_ =	swait.ge [sflag:s11], $0x2800  }
0x1a: {  	[sflag:s11] =	ssyncset.done $0x0  }
0x1b: {  	[sflag:s11] =	ssyncadd.s32 $0xFFFFD800  }
0x1c: {  	s18 =	simm.s32 $0x0;
	[bflag:$0x0] =	sbarrier.arrive $0xFFFF  }
0x1d: {  	[tilespmem:s14], [sflag:$0x1] =	stream.indirect.gather [hbm4b:s1+s13], $0x80, s18, s13, $0xb8;
	[tilespmem:$0x1C700] =	vst v63  }
0x1e: {  	_ =	swait.ge [sflag:s15], $0x3E80  }
0x1f: {  	[sflag:s15] =	ssyncset.done $0x0  }
0x20: {  	s31 =	simm.s32 $0x2800;
	[sflag:s15] =	ssyncadd.s32 $0xFFFFC180  }
0x21: {  	[spmem:s2] =	stream.indirect.scatter.add.f32 [tilespmem:s14], [sflag:$0x2], $0x80, s31, s13, $0xb8;
	[tilespmem:$0x1C700] =	vst v63  }
0x22: {  	_ =	swait.ge [sflag:s11], $0x3E80  }
0x23: {  	s19 =	simm.s32 $0x400;
	s18 =	simm.s32 $0x200;
	[sflag:s11] =	ssyncset.done $0x0  }
.LBB2_2:
0x24: {  	s20 =	sshra.s32 s18, $0x2  }
0x25: {  	[sflag:s11] =	ssyncadd.s32 $0xFFFFC180;
	s18 =	smov.u32 s19;
	s21 =	sadd.s32 $0x200, s19  }
0x26: {  	[tilespmem:s14], [sflag:$0x1] =	stream.indirect.gather [hbm4b:s1+s13], $0x80, s20, s13, $0xb8;
	[tilespmem:$0x1C700] =	vst v63  }
0x27: {  	p0 =	sne.s32 s19, $0x9E00;
	_ =	swait.ge [sflag:s15], $0x3E80  }
.Ltmp0:
0x28: {  	[sflag:s15] =	ssyncset.done $0x0;
	(pc) =	sbr.rel @p0 .LBB2_2-.Ltmp0, $4  }
0x29: {  	s19 =	sadd.s32 $0x2800, s20;
	[sflag:s15] =	ssyncadd.s32 $0xFFFFC180  }
0x2a: {  	[spmem:s2] =	stream.indirect.scatter.add.f32 [tilespmem:s14], [sflag:$0x2], $0x80, s19, s13, $0xb8;
	[tilespmem:$0x1C700] =	vst v63  }
0x2b: {  	_ =	swait.ge [sflag:s11], $0x3E80  }
0x2c: {  	s19 =	smov.u32 s21;
	[sflag:s11] =	ssyncset.done $0x0  }
0x2d: {  	s18 =	sshra.s32 s18, $0x2;
	[sflag:s11] =	ssyncadd.s32 $0xFFFFC180  }
0x2e: {  	[tilespmem:s14], [sflag:$0x1] =	stream.indirect.gather [hbm4b:s1+s13], $0x80, s18, s13, $0xb8;
	[tilespmem:$0x1C700] =	vst v63  }
0x2f: {  	_ =	swait.ge [sflag:s15], $0x3E80  }
0x30: {  	[sflag:s15] =	ssyncset.done $0x0  }
0x31: {  	s18 =	sadd.s32 $0x2800, s18;
	[sflag:s15] =	ssyncadd.s32 $0xFFFFC180  }
0x32: {  	[spmem:s2] =	stream.indirect.scatter.add.f32 [tilespmem:s14], [sflag:$0x2], $0x80, s18, s13, $0xb8;
	[tilespmem:$0x1C700] =	vst v63  }
0x33: {  	_ =	swait.ge [sflag:s11], $0x3E80  }
0x34: {  	s17 =	sadd.s32 $0x1, s17;
	[sflag:s11] =	ssyncset.done $0x0  }
0x35: {  	p0 =	sne.s32 s17, s9;
	[sflag:s11] =	ssyncadd.s32 $0xFFFFC180  }
.Ltmp1:
0x36: {  	[bflag:$0x0] =	sbarrier.arrive $0xFFFF;
	(pc) =	sbr.rel @p0 .LBB2_1-.Ltmp1, $4  }
0x37: {  	[hbm:s16], [sflag:s6] =	dma.local [spmem:s10], $0x2710  }
0x38: {  	_ =	swait.ge [sflag:s11], $0x2710  }
0x39: {  	[sflag:s11] =	ssyncset.done $0x0  }
0x3a: {  	[sflag:s11] =	ssyncadd.s32 $0xFFFFD8F0  }
0x3b: {  	_ =	sfence.sel $0x180000  }
0x3c: {  	[bflag:$0x0] =	sbarrier.arrive $0xFFFF  }
0x3d: {  	p0 =	sne.s32 s3, $0x0;
	_ =	strace $0x9000004A  }
0x3e: {  	s0 =	sadd.s32 @!p0 $0x100000, s0;
	[bflag:$0x2] =	sbarrier.arrive $0xFFFF  }
0x3f: {  	[sflag:s0] =	ssyncadd.tile.s32 @!p0 $0x1;
	_ =	shalt  }
.Lfunc_end2:
_tile_overlayer_lowered:
.L_overlay_start_2:
0x40: {  	(tag) =	ssettag $0x2  }
0x41: {  	s0 =	rddreg [dreg:$0x0];
	s2 =	stileid.u32  }
0x42: {  	s1 =	rddreg [dreg:$0x1];
	p0 =	sne.s32 s2, $0x0  }
0x43: {  	s3 =	rddreg [dreg:$0x2];
	[bflag:$0x3] =	sbarrier.arrive $0xFFFF;
	s2 =	simm.s32 @!p0 $0x1C02  }
0x44: {  	[timem:s3], [sflag:s2] =	dma.local @!p0 [hbm:s0], s1  }
0x45: {  	s0 =	simm.s32 @!p0 $0x2  }
0x46: {  	_ =	swait.ge @!p0 [sflag:s0], s1  }
0x47: {  	s1 =	ssub.s32 @!p0 $0x0, s1;
	[sflag:s0] =	ssyncset.done @!p0 $0x0  }
0x48: {  	[sflag:s0] =	ssyncadd.s32 @!p0 s1  }
0x49: {  	[bflag:$0x3] =	sbarrier.arrive $0xFFFF  }
0x4a: {  	_ =	shalt  }

// kernel: kernel.14.cloned.1.call-start
scs
__scs_entry_jumppad:
0x0: {  	(pc) =	sbr.rel $0x88, $3  }
0x1: {  	(tag) =	ssettag $0x0;
	lr =	simm.s32 $0x1  }
0x2: {  	[smem:$0x3F91] =	sst lr;
	_ =	strace $0xD0000000  }
0x3: {  	_ = 	snop  }
0x4: {  	_ = 	snop  }
0x5: {  	_ = 	snop  }
0x6: {  	_ = 	snop  }
0x7: {  	_ = 	snop  }
__scs_overlays_trampoline_lowered:
0x8: {  	[smem:$0x3FA0] =	sst s0  }
0x9: {  	[smem:$0x3FA1] =	sst s1  }
0xa: {  	[smem:$0x3FA2] =	sst s2  }
0xb: {  	[smem:$0x3FA3] =	sst s3  }
0xc: {  	[smem:$0x3FA4] =	sst s4  }
0xd: {  	[smem:$0x3FA5] =	sst s5  }
0xe: {  	[smem:$0x3FA6] =	sst s6  }
0xf: {  	[smem:$0x3FA7] =	sst s7  }
0x10: {  	[smem:$0x3FA8] =	sst s8  }
0x11: {  	[smem:$0x3FA9] =	sst s9;
	s0 =	simm.s32 @!p0 $0x0  }
0x12: {  	s1 =	sld [smem:$0x3F8F];
	s0 =	simm.s32 @p0 $0x1  }
0x13: {  	[smem:$0x3FAA] =	sst s0;
	s0 =	simm.s32 @!p1 $0x0  }
0x14: {  	s2 =	sld [smem:$0x3F8E];
	s0 =	simm.s32 @p1 $0x1  }
0x15: {  	[smem:$0x3FAB] =	sst s0;
	s0 =	simm.s32 @!p2 $0x0  }
0x16: {  	s3 =	sld [smem:$0x3FDB];
	s0 =	simm.s32 @p2 $0x1  }
0x17: {  	s4 =	simm.s32 $0x1BF5;
	[smem:$0x3FAD] =	sst s0  }
0x18: {  	s0 =	sld [smem:$0x3F90];
	_ =	swait.ge [sflag:s4], $0x0  }
0x19: {  	s7 =	sld [smem:$0x3F91]  }
0x1a: {  	s8 =	sadd.s32 $0xFFFFE003, lr  }
0x1b: {  	s9 =	sadd.s32 $0xFFFFFEF7, lr;
	s5 =	simm.s32 $0xFFFFFFFF;
	p2 =	slt.u32 s8, $0xFFFFF086  }
0x1c: {  	p1 =	slt.u32 s9, $0xF7A;
	s5 =	simm.s32 @!p2 $0x0  }
0x1d: {  	s5 =	simm.s32 @p1 $0x1;
	p0 =	seq.s32 s7, s2  }
0x1e: {  	s7 =	smul.u32 @!p0 $0xF7A, s2;
	p2 =	seq.s32 @!p0 s5, $0x0  }
0x1f: {  	s9 =	smul.u32 $0xF7A, s1;
	s8 =	simm.s32 @!p0 $0x1BF5;
	p2 =	por !p2, p0  }
0x20: {  	[sflag:s8] =	ssyncset.s32 @!p0 $0xFFFFF086;
	s6 =	sadd.s32 @!p0 s3, s7;
	s7 =	simm.s32 @!p0 $0x108  }
0x21: {  	s3 =	sadd.s32 s3, s9;
	s6 =	sadd.s32 @!p0 $0x88, s6;
	s7 =	simm.s32 @p2 $0x1082  }
0x22: {  	[simem:s7], [sflag:s8] =	dma.local @!p0 [hbm:s6], $0xF7A  }
0x23: {  	s9 =	sor.u32 $0xD0000000, s2;
	s6 =	simm.s32 $0x108;
	_ =	swait.ge @!p0 [sflag:s8], $0x0  }
0x24: {  	s3 =	sadd.s32 $0x88, s3;
	s6 =	simm.s32 @!p1 $0x1082;
	[sflag:s4] =	ssyncset.s32 $0xFFFFF086  }
0x25: {  	[simem:s6], [sflag:s4] =	dma.local [hbm:s3], $0xF7A  }
0x26: {  	[smem:$0x3F91] =	sst s1;
	(tag) =	ssettag s2;
	_ =	strace s9  }
0x27: {  	s1 =	sld [smem:$0x3FA1]  }
0x28: {  	s2 =	sld [smem:$0x3FA2]  }
0x29: {  	s4 =	sld [smem:$0x3FA4]  }
0x2a: {  	p0 =	seq.s32 s5, $0x0;
	s5 =	sld [smem:$0x3FA5]  }
0x2b: {  	s6 =	sld [smem:$0x3FA6]  }
0x2c: {  	s7 =	sld [smem:$0x3FA7]  }
0x2d: {  	s3 =	simm.s32 $0x108;
	s8 =	sld [smem:$0x3FA8]  }
0x2e: {  	s3 =	simm.s32 @!p0 $0x1082;
	s9 =	sld [smem:$0x3FA9]  }
0x2f: {  	lr =	sadd.s32 s0, s3;
	s0 =	sld [smem:$0x3FA0]  }
0x30: {  	s3 =	sld [smem:$0x3FA3]  }
0x31: {  	[smem:$0x3FAC] =	sst s10  }
0x32: {  	s10 =	sld [smem:$0x3FAA];
	_ =	sdelay $0x3  }
0x33: {  	p0 =	seq.s32 s10, $0x1;
	s10 =	sld [smem:$0x3FAC];
	_ =	sdelay $0x3  }
0x34: {  	[smem:$0x3FAC] =	sst s10  }
0x35: {  	s10 =	sld [smem:$0x3FAB];
	_ =	sdelay $0x3  }
0x36: {  	p1 =	seq.s32 s10, $0x1;
	s10 =	sld [smem:$0x3FAC];
	_ =	sdelay $0x3  }
0x37: {  	[smem:$0x3FAC] =	sst s10  }
0x38: {  	s10 =	sld [smem:$0x3FAD]  }
0x39: {  	_ = 	snop;
	(pc) =	sbr.ind lr, $3  }
0x3a: {  	_ = 	snop  }
0x3b: {  	_ = 	snop  }
0x3c: {  	p2 =	seq.s32 s10, $0x1;
	s10 =	sld [smem:$0x3FAC]  }
0x3d: {  	_ =	shalt  }
0x3e: {  	_ =	shalt  }
0x3f: {  	_ =	shalt  }
0x40: {  	_ =	shalt  }
0x41: {  	_ =	shalt  }
0x42: {  	_ =	shalt  }
0x43: {  	_ =	shalt  }
0x44: {  	_ =	shalt  }
0x45: {  	_ =	shalt  }
0x46: {  	_ =	shalt  }
0x47: {  	_ =	shalt  }
0x48: {  	_ =	shalt  }
0x49: {  	_ =	shalt  }
0x4a: {  	_ =	shalt  }
0x4b: {  	_ =	shalt  }
0x4c: {  	_ =	shalt  }
0x4d: {  	_ =	shalt  }
0x4e: {  	_ =	shalt  }
0x4f: {  	_ =	shalt  }
0x50: {  	_ =	shalt  }
0x51: {  	_ =	shalt  }
0x52: {  	_ =	shalt  }
0x53: {  	_ =	shalt  }
0x54: {  	_ =	shalt  }
0x55: {  	_ =	shalt  }
0x56: {  	_ =	shalt  }
0x57: {  	_ =	shalt  }
0x58: {  	_ =	shalt  }
0x59: {  	_ =	shalt  }
0x5a: {  	_ =	shalt  }
0x5b: {  	_ =	shalt  }
0x5c: {  	_ =	shalt  }
0x5d: {  	_ =	shalt  }
0x5e: {  	_ =	shalt  }
0x5f: {  	_ =	shalt  }
0x60: {  	_ =	shalt  }
0x61: {  	_ =	shalt  }
0x62: {  	_ =	shalt  }
0x63: {  	_ =	shalt  }
0x64: {  	_ =	shalt  }
0x65: {  	_ =	shalt  }
0x66: {  	_ =	shalt  }
0x67: {  	_ =	shalt  }
0x68: {  	_ =	shalt  }
0x69: {  	_ =	shalt  }
0x6a: {  	_ =	shalt  }
0x6b: {  	_ =	shalt  }
0x6c: {  	_ =	shalt  }
0x6d: {  	_ =	shalt  }
0x6e: {  	_ =	shalt  }
0x6f: {  	_ =	shalt  }
0x70: {  	_ =	shalt  }
0x71: {  	_ =	shalt  }
0x72: {  	_ =	shalt  }
0x73: {  	_ =	shalt  }
0x74: {  	_ =	shalt  }
0x75: {  	_ =	shalt  }
0x76: {  	_ =	shalt  }
0x77: {  	_ =	shalt  }
0x78: {  	_ =	shalt  }
0x79: {  	_ =	shalt  }
0x7a: {  	_ =	shalt  }
0x7b: {  	_ =	shalt  }
0x7c: {  	_ =	shalt  }
0x7d: {  	_ =	shalt  }
0x7e: {  	_ =	shalt  }
0x7f: {  	_ =	shalt  }
0x80: {  	_ =	shalt  }
0x81: {  	_ =	shalt  }
0x82: {  	_ =	shalt  }
0x83: {  	_ =	shalt  }
0x84: {  	_ =	shalt  }
0x85: {  	_ =	shalt  }
0x86: {  	_ =	shalt  }
0x87: {  	_ =	shalt  }
.Lfunc_end0:
.L_simem_size_0:
called_computation.2_lowered:
.L_overlay_start_0:
0x88: {  	s2 =	sld [smem:$0x3FD9]  }
0x89: {  	s3 =	sld [smem:$0x3FFE];
	_ =	sdelay $0x1  }
0x8a: {  	s1 =	srdreg.scid  }
0x8b: {  	s0 =	sand.u32 $0x1, s1  }
0x8c: {  	s16 =	sshll.u32 s0, $0xA;
	s2 =	sadd.s32 s3, s2  }
0x8d: {  	s2 =	sadd.s32 s2, s16  }
0x8e: {  	[smem:$0x3FB8] =	sst s2  }
0x8f: {  	_ = 	snop  }
0x90: {  	(tm) =	ssettm $0x1  }
0x91: {  	s17 =	sld [smem:$0x3FFB];
	_ =	sdelay $0x3  }
0x92: {  	_ =	strace s17  }
0x93: {  	s2 =	sld [smem:$0x3FFC];
	_ =	sdelay $0x3  }
0x94: {  	_ =	strace s2  }
0x95: {  	s2 =	sld [smem:$0x3FFD];
	_ =	sdelay $0x3  }
0x96: {  	_ =	strace s2  }
0x97: {  	_ =	strace $0x8FFFFFFF  }
0x98: {  	s18 =	sld [smem:$0x3FDB];
	_ =	sdelay $0x1  }
0x99: {  	s19 =	simm.s32 $_scs_section_size  }
0x9a: {  	s4 =	simm.s32 $_size__tile_overlayer_lowered;
	s5 =	simm.s32 $_tile_overlayer_lowered  }
0x9b: {  	s22 =	simm.s32 $0x1BFF;
	s21 =	sshll.u32 s5, $0x1;
	s2 =	sadd.s32 s19, s18  }
0x9c: {  	s6 =	simm.s32 $0x0;
	s20 =	sshll.u32 s4, $0x1;
	s4 =	sadd.s32 s21, s2  }
0x9d: {  	[timem:s6], [sflag:s22] =	dma.local [hbm:s4], s20  }
0x9e: {  	_ =	swait.ge [sflag:s22], s20  }
0x9f: {  	s3 =	ssub.s32 $0x0, s20;
	[sflag:s22] =	ssyncset.done $0x0  }
0xa0: {  	[sflag:s22] =	ssyncadd.s32 s3;
	_ =	sdelay $0x1  }
0xa1: {  	s23 =	simm.s32 $0x1B8B  }
0xa2: {  	_ =	swait.ge [sflag:s23], $0x1  }
0xa3: {  	[sflag:s23] =	ssyncset.done $0x0  }
0xa4: {  	s25 =	simm.s32 $0x1B8E;
	s24 =	sld [smem:$0x3FFE];
	[sflag:s23] =	ssyncadd.s32 $0xFFFFFFFF  }
0xa5: {  	s26 =	simm.s32 $execute0_lowered;
	[smem:$0x3FD2] =	sst s25  }
0xa6: {  	s4 =	sshll.u32 s26, $0x1;
	_ =	strace $0x8000004C;
	[dreg:$0x1] =	wrdreg $0xFFFFFFFF  }
0xa7: {  	s28 =	simm.s32 $_size_execute0_lowered;
	s2 =	sadd.s32 s2, s4;
	[dreg:$0x0] =	wrdreg $0x0  }
0xa8: {  	s4 =	sshll.u32 s28, $0x1;
	[dreg:$0x2] =	wrdreg s2  }
0xa9: {  	[dreg:$0x3] =	wrdreg s4  }
0xaa: {  	[dreg:$0x4] =	wrdreg $0xC0  }
0xab: {  	_ =	task [dreg:s6], $0x5FFFF  }
0xac: {  	[dreg:$0x1] =	wrdreg $0xFFFFFFFF  }
0xad: {  	[dreg:$0x0] =	wrdreg $0x60  }
0xae: {  	[dreg:$0x2] =	wrdreg s24  }
0xaf: {  	[dreg:$0x3] =	wrdreg $0x9  }
0xb0: {  	_ =	task.clear_ibuf [dreg:s6], $0x4FFFF;
	_ =	strace $0x9000004C  }
0xb1: {  	s29 =	simm.s32 $0x9;
	_ =	strace $0x8000004E  }
0xb2: {  	_ =	swait.ge [sflag:s29], $0x1  }
0xb3: {  	[sflag:s29] =	ssyncadd.s32 $0xFFFFFFFF  }
0xb4: {  	_ =	strace $0x9000004E  }
0xb5: {  	_ =	sfence  }
0xb6: {  	s30 =	sld [smem:$0x0];
	_ =	sdelay $0x2  }
0xb7: {  	s31 =	sshll.u32 s1, $0xD;
	s1 =	sshrl.u32 s1, $0x2  }
0xb8: {  	s3 =	sand.u32 $0x4000, s31;
	s1 =	sadd.s32 s1, s30  }
0xb9: {  	s0 =	sor.u32 s3, s0;
	s1 =	sshll.u32 s1, $0x11  }
0xba: {  	s0 =	sor.u32 s1, s0  }
0xbb: {  	s0 =	sadd.s32 $0x8F2B, s0  }
0xbc: {  	[sflag:s0] =	ssyncadd.remote.s32 $0x1  }
0xbd: {  	_ =	sfence.sel $0xFFFF  }
0xbe: {  	[dreg:$0x0] =	wrdreg $0xFFFFFFFF;
	(pc) =	sbr.abs _section_cstart, $3  }
0xbf: {  	[dreg:$0x1] =	wrdreg $0xFFFFFFFF  }
0xc0: {  	_ =	task.clear_ibuf [dreg:s6], $0x2FFFF;
	_ =	strace $0x9FFFFFFF  }
0xc1: {  	(tm) =	ssettm $0x7FFFFFFF  }
tec
execute0_lowered:
.L_overlay_start_1:
0x0: {  	(tag) =	ssettag $0x1  }
0x1: {  	s0 =	srdreg.scid  }
0x2: {  	s6 =	rddreg [dreg:$0x0];
	s1 =	stileid.u32;
	s2 =	simm.s32 $0x0  }
0x3: {  	s10 =	simm.s32 $0x2800;
	s11 =	simm.s32 $0x7D;
	s12 =	simm.s32 $0x5000  }
0x4: {  	s13 =	simm.s32 $0x1;
	s14 =	simm.s32 $0x0;
	s5 =	sand.u32 $0x1, s0  }
0x5: {  	s0 =	rddreg [dreg:$0x1];
	s9 =	smul.u32 $0x27100, s1;
	s3 =	sshll.u32 s5, $0x4  }
0x6: {  	[smem:$0x7FF] =	sst s2;
	s8 =	smul.u32 $0x271000, s5;
	s3 =	sor.u32 s1, s3  }
0x7: {  	s4 =	sadd.s32 $0x3E600, s6;
	s5 =	ssub.s32 $0x2, s5;
	s7 =	smul.u32 $0x500, s3  }
0x8: {  	_ =	strace $0x8000004D;
	s31 =	sshrl.u32 s5, $0x1;
	s3 =	sadd.s32 $0x17400, s6  }
0x9: {  	s7 =	sadd.s32 s7, s6;
	s6 =	sadd.s32 s8, s6;
	s8 =	ssub.s32 s5, s31  }
0xa: {  	s5 =	sadd.s32 $0xD400, s7;
	s9 =	sadd.s32 s9, s6;
	s6 =	sadd.s32 $0x3400, s7  }
0xb: {  	s7 =	smax.u32 s8, $0x1;
	s8 =	sadd.s32 $0x65800, s9;
	s9 =	simm.s32 $0x2  }
.LBB2_1:
0xc: {  	[tilespmem:s2], [sflag:$0x2] =	stream.linear.gather [hbm4b:s5+s2], $0x2800, $0x38;
	[tilespmem:$0x8E80] =	vst v63  }
0xd: {  	_ =	swait.ge [sflag:s9], $0x2800  }
0xe: {  	[sflag:s9] =	ssyncset.done $0x0  }
0xf: {  	[sflag:s9] =	ssyncadd.s32 $0xFFFFD800  }
0x10: {  	[tilespmem:s10], [sflag:$0x2] =	stream.linear.gather [hbm4b:s6+s2], $0x2800, $0x38;
	[tilespmem:$0x8E80] =	vst v63  }
0x11: {  	_ =	swait.ge [sflag:s9], $0x2800  }
0x12: {  	[sflag:s9] =	ssyncset.done $0x0  }
0x13: {  	s15 =	simm.s32 $0x0;
	[sflag:s9] =	ssyncadd.s32 $0xFFFFD800  }
0x14: {  	[tilespmem:s12], [sflag:$0x1] =	stream.indirect.gather [hbm4b:s3+s11], $0x80, s15, s11, $0xb8;
	[tilespmem:$0x8E80] =	vst v63  }
0x15: {  	_ =	swait.ge [sflag:s13], $0x3E80  }
0x16: {  	[sflag:s13] =	ssyncset.done $0x0  }
0x17: {  	s31 =	simm.s32 $0x2800;
	[sflag:s13] =	ssyncadd.s32 $0xFFFFC180  }
0x18: {  	[tilespmem:s12], [sflag:$0x1] =	stream.indirect.gather.add.f32 [hbm:s4], $0x80, s31, s11, $0xb8;
	[tilespmem:$0x8E80] =	vst v63  }
0x19: {  	_ =	swait.ge [sflag:s13], $0x3E80  }
0x1a: {  	[sflag:s13] =	ssyncset.done $0x0  }
0x1b: {  	[sflag:s13] =	ssyncadd.s32 $0xFFFFC180  }
0x1c: {  	[hbm4b:s8+s2] =	stream.linear.scatter [tilespmem:s12], [sflag:$0x2], $0x3E80, $0x38;
	[tilespmem:$0x8E80] =	vst v63  }
0x1d: {  	s16 =	simm.s32 $0x200;
	_ =	swait.ge [sflag:s9], $0x3E80  }
0x1e: {  	s17 =	simm.s32 $0x400;
	s15 =	sadd.s32 $0x7D0, s8;
	[sflag:s9] =	ssyncset.done $0x0  }
.LBB2_2:
0x1f: {  	s18 =	sshra.s32 s16, $0x2  }
0x20: {  	[sflag:s9] =	ssyncadd.s32 $0xFFFFC180;
	s16 =	smov.u32 s17;
	s19 =	sadd.s32 $0x200, s17  }
0x21: {  	[tilespmem:s12], [sflag:$0x1] =	stream.indirect.gather [hbm4b:s3+s11], $0x80, s18, s11, $0xb8;
	[tilespmem:$0x8E80] =	vst v63  }
0x22: {  	p0 =	sne.s32 s17, $0x9E00;
	_ =	swait.ge [sflag:s13], $0x3E80  }
0x23: {  	[sflag:s13] =	ssyncset.done $0x0  }
0x24: {  	s17 =	sadd.s32 $0x2800, s18;
	[sflag:s13] =	ssyncadd.s32 $0xFFFFC180  }
0x25: {  	[tilespmem:s12], [sflag:$0x1] =	stream.indirect.gather.add.f32 [hbm:s4], $0x80, s17, s11, $0xb8;
	[tilespmem:$0x8E80] =	vst v63  }
0x26: {  	_ =	swait.ge [sflag:s13], $0x3E80  }
.Ltmp0:
0x27: {  	[sflag:s13] =	ssyncset.done $0x0;
	(pc) =	sbr.rel @p0 .LBB2_2-.Ltmp0, $4  }
0x28: {  	[sflag:s13] =	ssyncadd.s32 $0xFFFFC180  }
0x29: {  	[hbm4b:s15+s2] =	stream.linear.scatter [tilespmem:s12], [sflag:$0x2], $0x3E80, $0x38;
	[tilespmem:$0x8E80] =	vst v63  }
0x2a: {  	_ =	swait.ge [sflag:s9], $0x3E80  }
0x2b: {  	s17 =	smov.u32 s19;
	s15 =	sadd.s32 $0x7D0, s15;
	[sflag:s9] =	ssyncset.done $0x0  }
0x2c: {  	s16 =	sshra.s32 s16, $0x2;
	[sflag:s9] =	ssyncadd.s32 $0xFFFFC180  }
0x2d: {  	[tilespmem:s12], [sflag:$0x1] =	stream.indirect.gather [hbm4b:s3+s11], $0x80, s16, s11, $0xb8;
	[tilespmem:$0x8E80] =	vst v63  }
0x2e: {  	_ =	swait.ge [sflag:s13], $0x3E80  }
0x2f: {  	[sflag:s13] =	ssyncset.done $0x0  }
0x30: {  	s16 =	sadd.s32 $0x2800, s16;
	[sflag:s13] =	ssyncadd.s32 $0xFFFFC180  }
0x31: {  	[tilespmem:s12], [sflag:$0x1] =	stream.indirect.gather.add.f32 [hbm:s4], $0x80, s16, s11, $0xb8;
	[tilespmem:$0x8E80] =	vst v63  }
0x32: {  	s14 =	sadd.s32 $0x1, s14;
	_ =	swait.ge [sflag:s13], $0x3E80  }
0x33: {  	p0 =	sne.s32 s14, s7;
	[sflag:s13] =	ssyncset.done $0x0  }
.Ltmp1:
0x34: {  	[sflag:s13] =	ssyncadd.s32 $0xFFFFC180;
	(pc) =	sbr.rel @p0 .LBB2_1-.Ltmp1, $4  }
0x35: {  	[hbm4b:s15+s2] =	stream.linear.scatter [tilespmem:s12], [sflag:$0x2], $0x3E80, $0x38;
	[tilespmem:$0x8E80] =	vst v63  }
0x36: {  	_ =	swait.ge [sflag:s9], $0x3E80  }
0x37: {  	[sflag:s9] =	ssyncset.done $0x0  }
0x38: {  	[sflag:s9] =	ssyncadd.s32 $0xFFFFC180  }
0x39: {  	_ =	sfence.sel $0x180000  }
0x3a: {  	[bflag:$0x0] =	sbarrier.arrive $0xFFFF  }
0x3b: {  	p0 =	sne.s32 s1, $0x0;
	_ =	strace $0x9000004D  }
0x3c: {  	s0 =	sadd.s32 @!p0 $0x100000, s0;
	[bflag:$0x2] =	sbarrier.arrive $0xFFFF  }
0x3d: {  	[sflag:s0] =	ssyncadd.tile.s32 @!p0 $0x1;
	_ =	shalt  }
.Lfunc_end2:
_tile_overlayer_lowered:
.L_overlay_start_2:
0x3e: {  	(tag) =	ssettag $0x2  }
0x3f: {  	s0 =	rddreg [dreg:$0x0];
	s2 =	stileid.u32  }
0x40: {  	s1 =	rddreg [dreg:$0x1];
	p0 =	sne.s32 s2, $0x0  }
0x41: {  	s3 =	rddreg [dreg:$0x2];
	[bflag:$0x3] =	sbarrier.arrive $0xFFFF;
	s2 =	simm.s32 @!p0 $0x1C02  }
0x42: {  	[timem:s3], [sflag:s2] =	dma.local @!p0 [hbm:s0], s1  }
0x43: {  	s0 =	simm.s32 @!p0 $0x2  }
0x44: {  	_ =	swait.ge @!p0 [sflag:s0], s1  }
0x45: {  	s1 =	ssub.s32 @!p0 $0x0, s1;
	[sflag:s0] =	ssyncset.done @!p0 $0x0  }
0x46: {  	[sflag:s0] =	ssyncadd.s32 @!p0 s1  }
0x47: {  	[bflag:$0x3] =	sbarrier.arrive $0xFFFF  }
0x48: {  	_ =	shalt  }

// kernel: kernel.8.cloned.1.call-start
scs
__scs_entry_jumppad:
0x0: {  	(pc) =	sbr.rel $0x88, $3  }
0x1: {  	(tag) =	ssettag $0x0;
	lr =	simm.s32 $0x1  }
0x2: {  	[smem:$0x3F91] =	sst lr;
	_ =	strace $0xD0000000  }
0x3: {  	_ = 	snop  }
0x4: {  	_ = 	snop  }
0x5: {  	_ = 	snop  }
0x6: {  	_ = 	snop  }
0x7: {  	_ = 	snop  }
__scs_overlays_trampoline_lowered:
0x8: {  	[smem:$0x3FA0] =	sst s0  }
0x9: {  	[smem:$0x3FA1] =	sst s1  }
0xa: {  	[smem:$0x3FA2] =	sst s2  }
0xb: {  	[smem:$0x3FA3] =	sst s3  }
0xc: {  	[smem:$0x3FA4] =	sst s4  }
0xd: {  	[smem:$0x3FA5] =	sst s5  }
0xe: {  	[smem:$0x3FA6] =	sst s6  }
0xf: {  	[smem:$0x3FA7] =	sst s7  }
0x10: {  	[smem:$0x3FA8] =	sst s8  }
0x11: {  	[smem:$0x3FA9] =	sst s9;
	s0 =	simm.s32 @!p0 $0x0  }
0x12: {  	s1 =	sld [smem:$0x3F8F];
	s0 =	simm.s32 @p0 $0x1  }
0x13: {  	[smem:$0x3FAA] =	sst s0;
	s0 =	simm.s32 @!p1 $0x0  }
0x14: {  	s2 =	sld [smem:$0x3F8E];
	s0 =	simm.s32 @p1 $0x1  }
0x15: {  	[smem:$0x3FAB] =	sst s0;
	s0 =	simm.s32 @!p2 $0x0  }
0x16: {  	s3 =	sld [smem:$0x3FDB];
	s0 =	simm.s32 @p2 $0x1  }
0x17: {  	s4 =	simm.s32 $0x1BF5;
	[smem:$0x3FAD] =	sst s0  }
0x18: {  	s0 =	sld [smem:$0x3F90];
	_ =	swait.ge [sflag:s4], $0x0  }
0x19: {  	s7 =	sld [smem:$0x3F91]  }
0x1a: {  	s8 =	sadd.s32 $0xFFFFE003, lr  }
0x1b: {  	s9 =	sadd.s32 $0xFFFFFEF7, lr;
	s5 =	simm.s32 $0xFFFFFFFF;
	p2 =	slt.u32 s8, $0xFFFFF086  }
0x1c: {  	p1 =	slt.u32 s9, $0xF7A;
	s5 =	simm.s32 @!p2 $0x0  }
0x1d: {  	s5 =	simm.s32 @p1 $0x1;
	p0 =	seq.s32 s7, s2  }
0x1e: {  	s7 =	smul.u32 @!p0 $0xF7A, s2;
	p2 =	seq.s32 @!p0 s5, $0x0  }
0x1f: {  	s9 =	smul.u32 $0xF7A, s1;
	s8 =	simm.s32 @!p0 $0x1BF5;
	p2 =	por !p2, p0  }
0x20: {  	[sflag:s8] =	ssyncset.s32 @!p0 $0xFFFFF086;
	s6 =	sadd.s32 @!p0 s3, s7;
	s7 =	simm.s32 @!p0 $0x108  }
0x21: {  	s3 =	sadd.s32 s3, s9;
	s6 =	sadd.s32 @!p0 $0x88, s6;
	s7 =	simm.s32 @p2 $0x1082  }
0x22: {  	[simem:s7], [sflag:s8] =	dma.local @!p0 [hbm:s6], $0xF7A  }
0x23: {  	s9 =	sor.u32 $0xD0000000, s2;
	s6 =	simm.s32 $0x108;
	_ =	swait.ge @!p0 [sflag:s8], $0x0  }
0x24: {  	s3 =	sadd.s32 $0x88, s3;
	s6 =	simm.s32 @!p1 $0x1082;
	[sflag:s4] =	ssyncset.s32 $0xFFFFF086  }
0x25: {  	[simem:s6], [sflag:s4] =	dma.local [hbm:s3], $0xF7A  }
0x26: {  	[smem:$0x3F91] =	sst s1;
	(tag) =	ssettag s2;
	_ =	strace s9  }
0x27: {  	s1 =	sld [smem:$0x3FA1]  }
0x28: {  	s2 =	sld [smem:$0x3FA2]  }
0x29: {  	s4 =	sld [smem:$0x3FA4]  }
0x2a: {  	p0 =	seq.s32 s5, $0x0;
	s5 =	sld [smem:$0x3FA5]  }
0x2b: {  	s6 =	sld [smem:$0x3FA6]  }
0x2c: {  	s7 =	sld [smem:$0x3FA7]  }
0x2d: {  	s3 =	simm.s32 $0x108;
	s8 =	sld [smem:$0x3FA8]  }
0x2e: {  	s3 =	simm.s32 @!p0 $0x1082;
	s9 =	sld [smem:$0x3FA9]  }
0x2f: {  	lr =	sadd.s32 s0, s3;
	s0 =	sld [smem:$0x3FA0]  }
0x30: {  	s3 =	sld [smem:$0x3FA3]  }
0x31: {  	[smem:$0x3FAC] =	sst s10  }
0x32: {  	s10 =	sld [smem:$0x3FAA];
	_ =	sdelay $0x3  }
0x33: {  	p0 =	seq.s32 s10, $0x1;
	s10 =	sld [smem:$0x3FAC];
	_ =	sdelay $0x3  }
0x34: {  	[smem:$0x3FAC] =	sst s10  }
0x35: {  	s10 =	sld [smem:$0x3FAB];
	_ =	sdelay $0x3  }
0x36: {  	p1 =	seq.s32 s10, $0x1;
	s10 =	sld [smem:$0x3FAC];
	_ =	sdelay $0x3  }
0x37: {  	[smem:$0x3FAC] =	sst s10  }
0x38: {  	s10 =	sld [smem:$0x3FAD]  }
0x39: {  	_ = 	snop;
	(pc) =	sbr.ind lr, $3  }
0x3a: {  	_ = 	snop  }
0x3b: {  	_ = 	snop  }
0x3c: {  	p2 =	seq.s32 s10, $0x1;
	s10 =	sld [smem:$0x3FAC]  }
0x3d: {  	_ =	shalt  }
0x3e: {  	_ =	shalt  }
0x3f: {  	_ =	shalt  }
0x40: {  	_ =	shalt  }
0x41: {  	_ =	shalt  }
0x42: {  	_ =	shalt  }
0x43: {  	_ =	shalt  }
0x44: {  	_ =	shalt  }
0x45: {  	_ =	shalt  }
0x46: {  	_ =	shalt  }
0x47: {  	_ =	shalt  }
0x48: {  	_ =	shalt  }
0x49: {  	_ =	shalt  }
0x4a: {  	_ =	shalt  }
0x4b: {  	_ =	shalt  }
0x4c: {  	_ =	shalt  }
0x4d: {  	_ =	shalt  }
0x4e: {  	_ =	shalt  }
0x4f: {  	_ =	shalt  }
0x50: {  	_ =	shalt  }
0x51: {  	_ =	shalt  }
0x52: {  	_ =	shalt  }
0x53: {  	_ =	shalt  }
0x54: {  	_ =	shalt  }
0x55: {  	_ =	shalt  }
0x56: {  	_ =	shalt  }
0x57: {  	_ =	shalt  }
0x58: {  	_ =	shalt  }
0x59: {  	_ =	shalt  }
0x5a: {  	_ =	shalt  }
0x5b: {  	_ =	shalt  }
0x5c: {  	_ =	shalt  }
0x5d: {  	_ =	shalt  }
0x5e: {  	_ =	shalt  }
0x5f: {  	_ =	shalt  }
0x60: {  	_ =	shalt  }
0x61: {  	_ =	shalt  }
0x62: {  	_ =	shalt  }
0x63: {  	_ =	shalt  }
0x64: {  	_ =	shalt  }
0x65: {  	_ =	shalt  }
0x66: {  	_ =	shalt  }
0x67: {  	_ =	shalt  }
0x68: {  	_ =	shalt  }
0x69: {  	_ =	shalt  }
0x6a: {  	_ =	shalt  }
0x6b: {  	_ =	shalt  }
0x6c: {  	_ =	shalt  }
0x6d: {  	_ =	shalt  }
0x6e: {  	_ =	shalt  }
0x6f: {  	_ =	shalt  }
0x70: {  	_ =	shalt  }
0x71: {  	_ =	shalt  }
0x72: {  	_ =	shalt  }
0x73: {  	_ =	shalt  }
0x74: {  	_ =	shalt  }
0x75: {  	_ =	shalt  }
0x76: {  	_ =	shalt  }
0x77: {  	_ =	shalt  }
0x78: {  	_ =	shalt  }
0x79: {  	_ =	shalt  }
0x7a: {  	_ =	shalt  }
0x7b: {  	_ =	shalt  }
0x7c: {  	_ =	shalt  }
0x7d: {  	_ =	shalt  }
0x7e: {  	_ =	shalt  }
0x7f: {  	_ =	shalt  }
0x80: {  	_ =	shalt  }
0x81: {  	_ =	shalt  }
0x82: {  	_ =	shalt  }
0x83: {  	_ =	shalt  }
0x84: {  	_ =	shalt  }
0x85: {  	_ =	shalt  }
0x86: {  	_ =	shalt  }
0x87: {  	_ =	shalt  }
.Lfunc_end0:
.L_simem_size_0:
called_computation_lowered:
.L_overlay_start_0:
0x88: {  	s2 =	sld [smem:$0x3FD9]  }
0x89: {  	s3 =	sld [smem:$0x3FFE];
	_ =	sdelay $0x1  }
0x8a: {  	s1 =	srdreg.scid  }
0x8b: {  	s0 =	sand.u32 $0x1, s1  }
0x8c: {  	s14 =	sshll.u32 s0, $0xA;
	s2 =	sadd.s32 s3, s2  }
0x8d: {  	s2 =	sadd.s32 s2, s14  }
0x8e: {  	[smem:$0x3FB8] =	sst s2  }
0x8f: {  	_ = 	snop  }
0x90: {  	s2 =	sld [smem:$0x3FD0];
	_ =	sdelay $0x2  }
0x91: {  	s15 =	simm.s32 $0xA;
	s4 =	simm.s32 $0x10  }
0x92: {  	[smem:s4], [sflag:s15] =	dma.local [hbm:s2], $0x1  }
0x93: {  	_ =	swait.eq [sflag:s15], $0x1  }
0x94: {  	[sflag:s15] =	ssyncset.done $0x0  }
0x95: {  	[sflag:s15] =	ssyncadd.s32 $0xFFFFFFFF  }
0x96: {  	s16 =	sld [smem:$0x10];
	(tm) =	ssettm $0x1  }
0x97: {  	s17 =	sld [smem:$0x3FFB];
	_ =	sdelay $0x3  }
0x98: {  	_ =	strace s17  }
0x99: {  	s3 =	sld [smem:$0x3FFC];
	_ =	sdelay $0x3  }
0x9a: {  	_ =	strace s3  }
0x9b: {  	s3 =	sld [smem:$0x3FFD];
	_ =	sdelay $0x3  }
0x9c: {  	_ =	strace s3  }
0x9d: {  	_ =	strace $0x8FFFFFFF  }
0x9e: {  	s18 =	sld [smem:$0x3FDB];
	_ =	sdelay $0x1  }
0x9f: {  	s19 =	simm.s32 $_scs_section_size  }
0xa0: {  	s5 =	simm.s32 $_size__tile_overlayer_lowered;
	s6 =	simm.s32 $_tile_overlayer_lowered  }
0xa1: {  	s22 =	simm.s32 $0x1BFF;
	s21 =	sshll.u32 s6, $0x1;
	s3 =	sadd.s32 s19, s18  }
0xa2: {  	s7 =	simm.s32 $0x0;
	s20 =	sshll.u32 s5, $0x1;
	s5 =	sadd.s32 s21, s3  }
0xa3: {  	[timem:s7], [sflag:s22] =	dma.local [hbm:s5], s20  }
0xa4: {  	_ =	swait.ge [sflag:s22], s20  }
0xa5: {  	s4 =	ssub.s32 $0x0, s20;
	[sflag:s22] =	ssyncset.done $0x0  }
0xa6: {  	[sflag:s22] =	ssyncadd.s32 s4;
	_ =	sdelay $0x1  }
0xa7: {  	s23 =	simm.s32 $0x1B8B  }
0xa8: {  	_ =	swait.ge [sflag:s23], $0x1  }
0xa9: {  	[sflag:s23] =	ssyncset.done $0x0  }
0xaa: {  	s25 =	simm.s32 $0x1B8E;
	s24 =	sld [smem:$0x3FFE];
	[sflag:s23] =	ssyncadd.s32 $0xFFFFFFFF  }
0xab: {  	s26 =	simm.s32 $execute0_lowered;
	[smem:$0x3FD2] =	sst s25  }
0xac: {  	s5 =	sshll.u32 s26, $0x1;
	_ =	strace $0x80000046;
	[dreg:$0x1] =	wrdreg $0xFFFFFFFF  }
0xad: {  	s28 =	simm.s32 $_size_execute0_lowered;
	s3 =	sadd.s32 s3, s5;
	[dreg:$0x0] =	wrdreg $0x0  }
0xae: {  	s5 =	sshll.u32 s28, $0x1;
	[dreg:$0x2] =	wrdreg s3  }
0xaf: {  	[dreg:$0x3] =	wrdreg s5  }
0xb0: {  	[dreg:$0x4] =	wrdreg $0xC0  }
0xb1: {  	_ =	task [dreg:s7], $0x5FFFF  }
0xb2: {  	[dreg:$0x1] =	wrdreg $0xFFFFFFFF  }
0xb3: {  	[dreg:$0x0] =	wrdreg $0x60  }
0xb4: {  	[dreg:$0x2] =	wrdreg s16  }
0xb5: {  	[dreg:$0x3] =	wrdreg s24  }
0xb6: {  	[dreg:$0x4] =	wrdreg $0x96500  }
0xb7: {  	[dreg:$0x5] =	wrdreg $0x9  }
0xb8: {  	_ =	task.clear_ibuf [dreg:s7], $0x6FFFF;
	_ =	strace $0x90000046  }
0xb9: {  	s29 =	simm.s32 $0x9;
	_ =	strace $0x80000048  }
0xba: {  	_ =	swait.ge [sflag:s29], $0x1  }
0xbb: {  	[sflag:s29] =	ssyncadd.s32 $0xFFFFFFFF  }
0xbc: {  	_ =	strace $0x90000048  }
0xbd: {  	_ =	sfence  }
0xbe: {  	s30 =	sld [smem:$0x0];
	_ =	sdelay $0x2  }
0xbf: {  	s31 =	sshll.u32 s1, $0xD;
	s1 =	sshrl.u32 s1, $0x2  }
0xc0: {  	s3 =	sand.u32 $0x4000, s31;
	s1 =	sadd.s32 s1, s30  }
0xc1: {  	s0 =	sor.u32 s3, s0;
	s1 =	sshll.u32 s1, $0x11  }
0xc2: {  	s0 =	sor.u32 s1, s0  }
0xc3: {  	s0 =	sadd.s32 $0x8F2B, s0  }
0xc4: {  	[sflag:s0] =	ssyncadd.remote.s32 $0x1  }
0xc5: {  	_ =	sfence.sel $0xFFFF  }
0xc6: {  	[dreg:$0x0] =	wrdreg $0xFFFFFFFF;
	(pc) =	sbr.abs _section_cstart, $3  }
0xc7: {  	[dreg:$0x1] =	wrdreg $0xFFFFFFFF  }
0xc8: {  	_ =	task.clear_ibuf [dreg:s7], $0x2FFFF;
	_ =	strace $0x9FFFFFFF  }
0xc9: {  	(tm) =	ssettm $0x7FFFFFFF  }
tec
execute0_lowered:
.L_overlay_start_1:
0x0: {  	(tag) =	ssettag $0x1  }
0x1: {  	s1 =	rddreg [dreg:$0x0]  }
0x2: {  	s5 =	rddreg [dreg:$0x1]  }
0x3: {  	s2 =	rddreg [dreg:$0x2]  }
0x4: {  	s3 =	srdreg.scid;
	s0 =	rddreg [dreg:$0x3]  }
0x5: {  	s4 =	simm.s32 $0x0;
	s13 =	simm.s32 $0x7D;
	s14 =	simm.s32 $0x5000  }
0x6: {  	s15 =	simm.s32 $0x1;
	s6 =	sand.u32 $0x1, s3;
	s3 =	stileid.u32  }
0x7: {  	[smem:$0x7FF] =	sst s4;
	s7 =	sshll.u32 s6, $0x4;
	s8 =	smul.u32 $0x15F90, s3  }
0x8: {  	_ =	strace $0x80000047;
	s9 =	smul.u32 $0x2BF20, s6;
	s6 =	ssub.s32 $0x2, s6  }
0x9: {  	s31 =	sshll.u32 s3, $0x6;
	s7 =	sor.u32 s3, s7;
	s11 =	sshrl.u32 s6, $0x1  }
0xa: {  	s7 =	smul.u32 $0x500, s7;
	s16 =	sshrl.u32 s8, $0x3;
	s9 =	sadd.s32 s9, s5  }
0xb: {  	s11 =	ssub.s32 s6, s11;
	s12 =	sadd.s32 s8, s2;
	s6 =	sor.u32 $0x1C02, s31  }
0xc: {  	s30 =	sadd.s32 s16, s5;
	s17 =	sadd.s32 $0x43400, s9;
	s9 =	smax.u32 s11, $0x1  }
0xd: {  	s11 =	simm.s32 $0x2;
	s10 =	sadd.s32 s7, s5;
	s5 =	sadd.s32 $0x17400, s30  }
0xe: {  	s16 =	sadd.s32 s16, s17;
	s17 =	simm.s32 $0x0;
	s7 =	sadd.s32 $0xD400, s10  }
0xf: {  	s8 =	sadd.s32 $0x3400, s10;
	s10 =	sshrl.u32 s12, $0x3;
	s12 =	simm.s32 $0x2800  }
.LBB2_1:
0x10: {  	[spmem:s10], [sflag:s6] =	dma.local [hbm:s5], $0x2BF2  }
0x11: {  	_ =	swait.ge [sflag:s11], $0x2BF2  }
0x12: {  	[sflag:s11] =	ssyncset.done $0x0  }
0x13: {  	[sflag:s11] =	ssyncadd.s32 $0xFFFFD40E  }
0x14: {  	[tilespmem:s4], [sflag:$0x2] =	stream.linear.gather [hbm4b:s7+s4], $0x2800, $0x38;
	[tilespmem:$0x1F5E0] =	vst v63  }
0x15: {  	_ =	swait.ge [sflag:s11], $0x2800  }
0x16: {  	[sflag:s11] =	ssyncset.done $0x0  }
0x17: {  	[sflag:s11] =	ssyncadd.s32 $0xFFFFD800  }
0x18: {  	[tilespmem:s12], [sflag:$0x2] =	stream.linear.gather [hbm4b:s8+s4], $0x2800, $0x38;
	[tilespmem:$0x1F5E0] =	vst v63  }
0x19: {  	_ =	swait.ge [sflag:s11], $0x2800  }
0x1a: {  	[sflag:s11] =	ssyncset.done $0x0  }
0x1b: {  	[sflag:s11] =	ssyncadd.s32 $0xFFFFD800  }
0x1c: {  	s18 =	simm.s32 $0x0;
	[bflag:$0x0] =	sbarrier.arrive $0xFFFF  }
0x1d: {  	[tilespmem:s14], [sflag:$0x1] =	stream.indirect.gather [hbm4b:s1+s13], $0x90, s18, s13, $0xb8;
	[tilespmem:$0x1F5E0] =	vst v63  }
0x1e: {  	_ =	swait.ge [sflag:s15], $0x4650  }
0x1f: {  	[sflag:s15] =	ssyncset.done $0x0  }
0x20: {  	s31 =	simm.s32 $0x2800;
	[sflag:s15] =	ssyncadd.s32 $0xFFFFB9B0  }
0x21: {  	[spmem:s2] =	stream.indirect.scatter.add.f32 [tilespmem:s14], [sflag:$0x2], $0x90, s31, s13, $0xb8;
	[tilespmem:$0x1F5E0] =	vst v63  }
0x22: {  	_ =	swait.ge [sflag:s11], $0x4650  }
0x23: {  	s19 =	simm.s32 $0x400;
	s18 =	simm.s32 $0x200;
	[sflag:s11] =	ssyncset.done $0x0  }
.LBB2_2:
0x24: {  	s20 =	sshra.s32 s18, $0x2  }
0x25: {  	[sflag:s11] =	ssyncadd.s32 $0xFFFFB9B0;
	s18 =	smov.u32 s19;
	s21 =	sadd.s32 $0x200, s19  }
0x26: {  	[tilespmem:s14], [sflag:$0x1] =	stream.indirect.gather [hbm4b:s1+s13], $0x90, s20, s13, $0xb8;
	[tilespmem:$0x1F5E0] =	vst v63  }
0x27: {  	p0 =	sne.s32 s19, $0x9E00;
	_ =	swait.ge [sflag:s15], $0x4650  }
.Ltmp0:
0x28: {  	[sflag:s15] =	ssyncset.done $0x0;
	(pc) =	sbr.rel @p0 .LBB2_2-.Ltmp0, $4  }
0x29: {  	s19 =	sadd.s32 $0x2800, s20;
	[sflag:s15] =	ssyncadd.s32 $0xFFFFB9B0  }
0x2a: {  	[spmem:s2] =	stream.indirect.scatter.add.f32 [tilespmem:s14], [sflag:$0x2], $0x90, s19, s13, $0xb8;
	[tilespmem:$0x1F5E0] =	vst v63  }
0x2b: {  	_ =	swait.ge [sflag:s11], $0x4650  }
0x2c: {  	s19 =	smov.u32 s21;
	[sflag:s11] =	ssyncset.done $0x0  }
0x2d: {  	s18 =	sshra.s32 s18, $0x2;
	[sflag:s11] =	ssyncadd.s32 $0xFFFFB9B0  }
0x2e: {  	[tilespmem:s14], [sflag:$0x1] =	stream.indirect.gather [hbm4b:s1+s13], $0x90, s18, s13, $0xb8;
	[tilespmem:$0x1F5E0] =	vst v63  }
0x2f: {  	_ =	swait.ge [sflag:s15], $0x4650  }
0x30: {  	[sflag:s15] =	ssyncset.done $0x0  }
0x31: {  	s18 =	sadd.s32 $0x2800, s18;
	[sflag:s15] =	ssyncadd.s32 $0xFFFFB9B0  }
0x32: {  	[spmem:s2] =	stream.indirect.scatter.add.f32 [tilespmem:s14], [sflag:$0x2], $0x90, s18, s13, $0xb8;
	[tilespmem:$0x1F5E0] =	vst v63  }
0x33: {  	_ =	swait.ge [sflag:s11], $0x4650  }
0x34: {  	s17 =	sadd.s32 $0x1, s17;
	[sflag:s11] =	ssyncset.done $0x0  }
0x35: {  	p0 =	sne.s32 s17, s9;
	[sflag:s11] =	ssyncadd.s32 $0xFFFFB9B0  }
.Ltmp1:
0x36: {  	[bflag:$0x0] =	sbarrier.arrive $0xFFFF;
	(pc) =	sbr.rel @p0 .LBB2_1-.Ltmp1, $4  }
0x37: {  	[hbm:s16], [sflag:s6] =	dma.local [spmem:s10], $0x2BF2  }
0x38: {  	_ =	swait.ge [sflag:s11], $0x2BF2  }
0x39: {  	[sflag:s11] =	ssyncset.done $0x0  }
0x3a: {  	[sflag:s11] =	ssyncadd.s32 $0xFFFFD40E  }
0x3b: {  	_ =	sfence.sel $0x180000  }
0x3c: {  	[bflag:$0x0] =	sbarrier.arrive $0xFFFF  }
0x3d: {  	p0 =	sne.s32 s3, $0x0;
	_ =	strace $0x90000047  }
0x3e: {  	s0 =	sadd.s32 @!p0 $0x100000, s0;
	[bflag:$0x2] =	sbarrier.arrive $0xFFFF  }
0x3f: {  	[sflag:s0] =	ssyncadd.tile.s32 @!p0 $0x1;
	_ =	shalt  }
.Lfunc_end2:
_tile_overlayer_lowered:
.L_overlay_start_2:
0x40: {  	(tag) =	ssettag $0x2  }
0x41: {  	s0 =	rddreg [dreg:$0x0];
	s2 =	stileid.u32  }
0x42: {  	s1 =	rddreg [dreg:$0x1];
	p0 =	sne.s32 s2, $0x0  }
0x43: {  	s3 =	rddreg [dreg:$0x2];
	[bflag:$0x3] =	sbarrier.arrive $0xFFFF;
	s2 =	simm.s32 @!p0 $0x1C02  }
0x44: {  	[timem:s3], [sflag:s2] =	dma.local @!p0 [hbm:s0], s1  }
0x45: {  	s0 =	simm.s32 @!p0 $0x2  }
0x46: {  	_ =	swait.ge @!p0 [sflag:s0], s1  }
0x47: {  	s1 =	ssub.s32 @!p0 $0x0, s1;
	[sflag:s0] =	ssyncset.done @!p0 $0x0  }
0x48: {  	[sflag:s0] =	ssyncadd.s32 @!p0 s1  }
0x49: {  	[bflag:$0x3] =	sbarrier.arrive $0xFFFF  }
0x4a: {  	_ =	shalt  }

</sc_bundles>
